<compile_context>
chip_gen: v7x
topology: tpu7x:2x2x1
jax: 0.10.2.dev20260603
libtpu: 0.0.44.dev20260713+nightly
codegen_flags: <defaults>
</compile_context>

<pallas_src>
import functools

import jax
import jax.numpy as jnp
from jax import lax
from jax.experimental import pallas as pl
from jax.experimental.pallas import tpu as pltpu
from jax.experimental.pallas import tpu_sc as plsc

N = 10000
E = 320000
D_IN = 128
D_HID = 512
NCLS = 4
DP = 16

NC = 2
NS = 16
NW = NC * NS
C = 128
EP = 327680
TCH = EP // C

NP = 10240
RPS = NP // NS
ZR = 128
NZ = RPS // ZR


def _fill_const(ref, nrows, d, val):
  vec = jnp.full((16,), val, jnp.float32)

  def body(r, carry):
    for cc in range(d // 16):
      ref[r, pl.ds(cc * 16, 16)] = vec
    return carry

  lax.fori_loop(0, nrows, body, 0)


def _make_sc_agg(d, gather, nbuf):
  nch = TCH // NW
  mesh = plsc.VectorSubcoreMesh(core_axis_name="c", subcore_axis_name="s")
  out_type = jax.ShapeDtypeStruct((NC, NP, d), jnp.float32)
  scratch_types = [
      pltpu.VMEM((nch, C), jnp.int32),
      pltpu.VMEM((nbuf, C, d), jnp.float32),
      pltpu.VMEM_SHARED((NP, d), jnp.float32),
      pltpu.SemaphoreType.DMA,
      pltpu.SemaphoreType.DMA,
      pltpu.SemaphoreType.DMA,
  ]
  if gather:
    scratch_types.insert(0, pltpu.VMEM((2, C), jnp.int32))

  def body(*refs):
    if gather:
      (tab_hbm, src_hbm, dst_hbm, out_hbm,
       sring, dsti, rows, acc, semg, semi, sems) = refs
    else:
      (dst_hbm, out_hbm, dsti, rows, acc, semg, semi, sems) = refs
    c = lax.axis_index("c")
    s = lax.axis_index("s")
    wid = c * NS + s
    base = wid * nch

    pltpu.sync_copy(dst_hbm.at[pl.ds(base, nch)], dsti)

    _fill_const(rows.at[0], ZR, d, 0.0)

    def zcopy(k, carry):
      pltpu.sync_copy(rows.at[0], acc.at[pl.ds(s * RPS + k * ZR, ZR)])
      return carry

    lax.fori_loop(0, NZ, zcopy, 0)
    plsc.subcore_barrier()

    def wait_scatter():
      pltpu.make_async_copy(rows.at[0], acc.at[pl.ds(0, C)], sems).wait()

    if gather:
      H = C // 2

      def gissue(slot, buf):
        pltpu.async_copy(tab_hbm.at[sring.at[slot, pl.ds(0, H)]],
                         rows.at[buf, pl.ds(0, H)], semg)
        pltpu.async_copy(tab_hbm.at[sring.at[slot, pl.ds(H, H)]],
                         rows.at[buf, pl.ds(H, H)], semg)

      def gwait(slot, buf):
        pltpu.make_async_copy(tab_hbm.at[sring.at[slot, pl.ds(0, H)]],
                              rows.at[buf, pl.ds(0, H)], semg).wait()
        pltpu.make_async_copy(tab_hbm.at[sring.at[slot, pl.ds(H, H)]],
                              rows.at[buf, pl.ds(H, H)], semg).wait()

      pltpu.sync_copy(src_hbm.at[base], sring.at[0])
      gissue(0, 0)
      pltpu.async_copy(src_hbm.at[base + 1], sring.at[1], semi)

      def step(j, carry):
        b = j % nbuf
        nb = (j + 1) % nbuf
        gwait(j % 2, b)

        @pl.when(j >= nbuf - 1)
        def _():
          wait_scatter()

        @pl.when(j + 1 < nch)
        def _():
          pltpu.make_async_copy(
              src_hbm.at[base + j + 1], sring.at[(j + 1) % 2], semi).wait()
          gissue((j + 1) % 2, nb)

        @pl.when(j + 2 < nch)
        def _():
          pltpu.async_copy(src_hbm.at[base + j + 2], sring.at[j % 2], semi)

        pltpu.async_copy(rows.at[b], acc.at[dsti.at[j]], sems, add=True)
        return carry
    else:
      for k in range(nbuf):
        _fill_const(rows.at[k], C, d, 1.0)

      def step(j, carry):
        @pl.when(j >= nbuf - 1)
        def _():
          wait_scatter()
        pltpu.async_copy(rows.at[j % nbuf], acc.at[dsti.at[j]], sems,
                         add=True)
        return carry

    lax.fori_loop(0, nch, step, 0)
    for _ in range(nbuf - 1):
      wait_scatter()
    plsc.subcore_barrier()

    def ocopy(k, carry):
      r0 = s * RPS + k * ZR
      pltpu.sync_copy(acc.at[pl.ds(r0, ZR)], rows.at[0])
      pltpu.sync_copy(rows.at[0], out_hbm.at[c, pl.ds(r0, ZR)])
      return carry

    lax.fori_loop(0, NZ, ocopy, 0)

  params = pltpu.CompilerParams(use_tc_tiling_on_sc=(d == 128))
  return functools.partial(
      pl.kernel, mesh=mesh, out_type=out_type,
      scratch_types=scratch_types, compiler_params=params)(body)


_sc_agg128 = _make_sc_agg(D_IN, gather=True, nbuf=2)


def _agg4_body(y2_hbm, src_hbm, dst_hbm, out_hbm, sidx, didx, y2c, accc, sem):
  c = lax.axis_index("c")
  s = lax.axis_index("s")
  wid = c * NS + s
  nch = TCH // NW
  base = wid * nch

  pltpu.sync_copy(src_hbm.at[pl.ds(base, nch)], sidx)
  pltpu.sync_copy(dst_hbm.at[pl.ds(base, nch)], didx)

  zv = jnp.zeros((16,), jnp.float32)
  cspl = [jnp.full((16,), cl, jnp.int32) for cl in range(2)]

  for ci in range(NCLS // 2):
    pltpu.sync_copy(y2_hbm.at[pl.ds(2 * ci, 2)], y2c)

    def zero(r, carry):
      accc[0, pl.ds(r * 16, 16)] = zv
      accc[1, pl.ds(r * 16, 16)] = zv
      return carry

    lax.fori_loop(0, NP // 16, zero, 0)

    def step(j, carry):
      for k in range(C // 16):
        s16 = sidx[j, pl.ds(k * 16, 16)]
        d16 = didx[j, pl.ds(k * 16, 16)]
        for cl in range(2):
          v = plsc.load_gather(y2c, [cspl[cl], s16])
          plsc.addupdate_scatter(accc, [cspl[cl], d16], v)
      return carry

    lax.fori_loop(0, nch, step, 0)
    pltpu.sync_copy(accc.at[0], out_hbm.at[2 * ci, wid])
    pltpu.sync_copy(accc.at[1], out_hbm.at[2 * ci + 1, wid])


_sc_agg16 = functools.partial(
    pl.kernel,
    mesh=plsc.VectorSubcoreMesh(core_axis_name="c", subcore_axis_name="s"),
    out_type=jax.ShapeDtypeStruct((NCLS, NW, NP), jnp.float32),
    scratch_types=[
        pltpu.VMEM((TCH // NW, C), jnp.int32),
        pltpu.VMEM((TCH // NW, C), jnp.int32),
        pltpu.VMEM((2, N), jnp.float32),
        pltpu.VMEM((2, NP), jnp.float32),
        pltpu.SemaphoreType.DMA,
    ],
    compiler_params=pltpu.CompilerParams(
        use_tc_tiling_on_sc=False, needs_layout_passes=False),
)(_agg4_body)

def _deg_body(dst_hbm, out_hbm, didx, acc1, sem):
  c = lax.axis_index("c")
  s = lax.axis_index("s")
  wid = c * NS + s
  nch = TCH // NW
  base = wid * nch

  pltpu.sync_copy(dst_hbm.at[pl.ds(base, nch)], didx)

  zv = jnp.zeros((16,), jnp.float32)

  def zero(i, carry):
    acc1[pl.ds(i * 16, 16)] = zv
    return carry

  lax.fori_loop(0, NP // 16, zero, 0)

  ones = jnp.ones((16,), jnp.float32)

  def step(j, carry):
    for k in range(C // 16):
      d16 = didx[j, pl.ds(k * 16, 16)]
      plsc.addupdate_scatter(acc1, [d16], ones)
    return carry

  lax.fori_loop(0, nch, step, 0)
  pltpu.sync_copy(acc1, out_hbm.at[wid])


_sc_deg = functools.partial(
    pl.kernel,
    mesh=plsc.VectorSubcoreMesh(core_axis_name="c", subcore_axis_name="s"),
    out_type=jax.ShapeDtypeStruct((NW, NP), jnp.float32),
    scratch_types=[
        pltpu.VMEM((TCH // NW, C), jnp.int32),
        pltpu.VMEM((NP,), jnp.float32),
        pltpu.SemaphoreType.DMA,
    ],
    compiler_params=pltpu.CompilerParams(
        use_tc_tiling_on_sc=False, needs_layout_passes=False),
)(_deg_body)

BT = 400
GT = N // BT


def _prep_body(dparts, x_ref, y_ref, dinv_ref):
  deg = jnp.sum(dparts[...], axis=0)[:, None] + 1.0
  dinv = lax.rsqrt(deg)
  dinv_ref[...] = dinv
  y_ref[...] = x_ref[...] * dinv


BTP = 512

_tc_prep = pl.pallas_call(
    _prep_body,
    grid=(NP // BTP,),
    in_specs=[
        pl.BlockSpec((NW, BTP), lambda i: (0, i)),
        pl.BlockSpec((BTP, D_IN), lambda i: (i, 0)),
    ],
    out_specs=[
        pl.BlockSpec((BTP, D_IN), lambda i: (i, 0)),
        pl.BlockSpec((BTP, 1), lambda i: (i, 0)),
    ],
    out_shape=[
        jax.ShapeDtypeStruct((N, D_IN), jnp.float32),
        jax.ShapeDtypeStruct((N, 1), jnp.float32),
    ],
)


def _mid_body(a0, a1, y_ref, dinv_ref, w1, b1r, w2, y2_ref):
  dinv = dinv_ref[...]
  agg = dinv * (a0[...] + a1[...] + y_ref[...])
  x1 = jnp.dot(agg, w1[...], preferred_element_type=jnp.float32) + b1r[...]
  x1 = jnp.where(x1 >= 0.0, x1, 0.01 * x1)
  h2 = jnp.dot(x1, w2[...], preferred_element_type=jnp.float32)
  y2_ref[...] = dinv * h2


_tc_mid = pl.pallas_call(
    _mid_body,
    grid=(GT,),
    in_specs=[
        pl.BlockSpec((BT, D_IN), lambda i: (i, 0)),
        pl.BlockSpec((BT, D_IN), lambda i: (i, 0)),
        pl.BlockSpec((BT, D_IN), lambda i: (i, 0)),
        pl.BlockSpec((BT, 1), lambda i: (i, 0)),
        pl.BlockSpec((D_IN, D_HID), lambda i: (0, 0)),
        pl.BlockSpec((1, D_HID), lambda i: (0, 0)),
        pl.BlockSpec((D_HID, NCLS), lambda i: (0, 0)),
    ],
    out_specs=pl.BlockSpec((BT, NCLS), lambda i: (i, 0)),
    out_shape=jax.ShapeDtypeStruct((N, NCLS), jnp.float32),
)


def _final_body(aparts, y2_ref, dinv_ref, b2r, out_ref):
  ap = aparts[...]
  acc2 = jnp.stack([jnp.sum(ap[cl], axis=0) for cl in range(NCLS)], axis=1)
  z = dinv_ref[...] * (acc2 + y2_ref[...]) + b2r[...]
  m = jnp.max(z, axis=1, keepdims=True)
  e = jnp.exp(z - m)
  lse = jnp.log(jnp.sum(e, axis=1, keepdims=True))
  out_ref[...] = z - m - lse


_tc_final = pl.pallas_call(
    _final_body,
    grid=(NP // BTP,),
    in_specs=[
        pl.BlockSpec((NCLS, NW, BTP), lambda i: (0, 0, i)),
        pl.BlockSpec((BTP, NCLS), lambda i: (i, 0)),
        pl.BlockSpec((BTP, 1), lambda i: (i, 0)),
        pl.BlockSpec((1, NCLS), lambda i: (0, 0)),
    ],
    out_specs=pl.BlockSpec((BTP, NCLS), lambda i: (i, 0)),
    out_shape=jax.ShapeDtypeStruct((N, NCLS), jnp.float32),
)


def _pad_edges(adj):
  pad = jnp.arange(EP - E, dtype=jnp.int32)
  src = jnp.concatenate([adj[0].astype(jnp.int32), pad % N])
  dst = jnp.concatenate([adj[1].astype(jnp.int32), N + pad % (NP - N)])
  return src.reshape(TCH, C), dst.reshape(TCH, C)


def kernel(in_feat, adj, W1, b1, W2, b2):
  src, dst = _pad_edges(adj)
  deg_parts = _sc_deg(dst)
  y, dinv = _tc_prep(deg_parts, in_feat)
  acc = _sc_agg128(y, src, dst)
  y2 = _tc_mid(acc[0], acc[1], y, dinv, W1, b1.reshape(1, D_HID), W2)
  acc2 = _sc_agg16(y2.T, src, dst)
  return _tc_final(acc2, y2, dinv, b2.reshape(1, NCLS))

# --- scband reference (transcript-rebuilt; emitter-appended) ---
"""Pipeline reference for scband-gcnn-13563506721400 (READ-ONLY COPY).

The authoritative reference and input builder live on the scoring server;
editing this copy changes nothing except your own understanding.
"""

import jax, jax.numpy as jnp
import numpy as np

N_NODES = 10000
N_EDGES = 320000
D_IN = 128
D_HID = 512
N_CLASSES = 4


def setup_inputs(seed: int = 0) -> dict:
    key = jax.random.key(seed)
    k1, k2, k3, k4, k5, k6 = jax.random.split(key, 6)
    in_feat = jax.random.normal(k1, (N_NODES, D_IN), dtype=jnp.float32)
    adj = jax.random.randint(k2, (2, N_EDGES), 0, N_NODES)
    W1 = jax.random.normal(k3, (D_IN, D_HID), dtype=jnp.float32) * (1.0 / np.sqrt(D_IN))
    b1 = jnp.zeros((D_HID,), dtype=jnp.float32)
    W2 = jax.random.normal(k4, (D_HID, N_CLASSES), dtype=jnp.float32) * (1.0 / np.sqrt(D_HID))
    b2 = jnp.zeros((N_CLASSES,), dtype=jnp.float32)
    return {"in_feat": in_feat, "adj": adj, "W1": W1, "b1": b1, "W2": W2, "b2": b2}


def _gcn_conv(x, edge_index, W, b):
    # PyG-style GCNConv: add self-loops, symmetric degree normalization,
    # linear transform, scatter-add aggregation, then bias.
    num_nodes = x.shape[0]
    src = edge_index[0]
    dst = edge_index[1]
    loop = jnp.arange(num_nodes, dtype=src.dtype)
    src = jnp.concatenate([src, loop])
    dst = jnp.concatenate([dst, loop])
    deg = jax.ops.segment_sum(jnp.ones_like(src, dtype=x.dtype), dst, num_segments=num_nodes)
    dinv = jnp.where(deg > 0, jax.lax.rsqrt(jnp.maximum(deg, 1e-12)), 0.0)
    norm = dinv[src] * dinv[dst]
    h = x @ W
    msg = jnp.take(h, src, axis=0) * norm[:, None]
    out = jax.ops.segment_sum(msg, dst, num_segments=num_nodes)
    return out + b


def reference(in_feat, adj, W1, b1, W2, b2):
    x = _gcn_conv(in_feat, adj, W1, b1)
    x = jax.nn.leaky_relu(x, negative_slope=0.01)
    # F.dropout(training=self.training) is identity in eval mode
    x = _gcn_conv(x, adj, W2, b2)
    return jax.nn.log_softmax(x, axis=1)

if __name__ == "__main__":
    import jax
    _d = setup_inputs()
    print(jax.jit(kernel)(*tuple(_d.values())))

</pallas_src>

<mosaic_0001>
#map = affine_map<(d0, d1) -> (0, 0)>
module attributes {stable_mosaic.version = 14 : i64} {
  func.func @_deg_body(%arg0: i32, %arg1: i32, %arg2: memref<2560x128xi32, #tpu.memory_space<hbm>>, %arg3: memref<32x10240xf32, #tpu.memory_space<hbm>>, %arg4: memref<80x128xi32, #tpu.memory_space<vmem>>, %arg5: memref<10240xf32, #tpu.memory_space<vmem>>, %arg6: memref<!tpu.dma_semaphore, #tpu.memory_space<semaphore_mem>>) attributes {dimension_semantics = [#tpu.dimension_semantics<core_parallel>, #tpu.dimension_semantics<subcore_parallel>], iteration_bounds = array<i64: 2, 16>, scalar_prefetch = 0 : i64, scratch_operands = 3 : i64, tpu.core_type = #tpu.core_type<sc_vector_subcore>, window_params = [{transform_indices = #map}, {transform_indices = #map}]} {
    %mul3A = arith.constant 16 : i32
    %mul3A_0 = arith.muli %arg0, %mul3A : i32
    %add3A = arith.addi %mul3A_0, %arg1 : i32
    %mul3A_1 = arith.constant 80 : i32
    %mul3A_2 = arith.muli %add3A, %mul3A_1 : i32
    "tpu.region"() ({
      %run_scoped3A = tpu.sem_alloc : memref<!tpu.dma_semaphore, #tpu.memory_space<semaphore_mem>>
      %dma_start3A = arith.constant 0 : i32
      %dma_start3A_17 = tpu.memref_slice %arg2[%mul3A_2, %dma_start3A] : memref<2560x128xi32, #tpu.memory_space<hbm>> -> memref<80x128xi32, #tpu.memory_space<hbm>>
      %dma_start3A_18 = arith.constant 0 : i32
      %dma_start3A_19 = tpu.memref_slice %arg2[%mul3A_2, %dma_start3A_18] : memref<2560x128xi32, #tpu.memory_space<hbm>> -> memref<80x128xi32, #tpu.memory_space<hbm>>
      tpu.enqueue_dma source(%dma_start3A_19 : memref<80x128xi32, #tpu.memory_space<hbm>>) target(%arg4 : memref<80x128xi32, #tpu.memory_space<vmem>>) target_semaphore(%run_scoped3A : memref<!tpu.dma_semaphore, #tpu.memory_space<semaphore_mem>>)
      %dma_wait3A = arith.constant 0 : i32
      %dma_wait3A_20 = tpu.memref_slice %arg2[%mul3A_2, %dma_wait3A] : memref<2560x128xi32, #tpu.memory_space<hbm>> -> memref<80x128xi32, #tpu.memory_space<hbm>>
      %dma_wait3A_21 = arith.constant 0 : i32
      %dma_wait3A_22 = tpu.memref_slice %arg2[%mul3A_2, %dma_wait3A_21] : memref<2560x128xi32, #tpu.memory_space<hbm>> -> memref<80x128xi32, #tpu.memory_space<hbm>>
      tpu.wait_dma2 semaphore(%run_scoped3A : memref<!tpu.dma_semaphore, #tpu.memory_space<semaphore_mem>>) src(%dma_wait3A_22 : memref<80x128xi32, #tpu.memory_space<hbm>>) dst(%arg4 : memref<80x128xi32, #tpu.memory_space<vmem>>)
      tpu.yield
    }) : () -> ()
    %broadcast_in_dim3A = arith.constant 0.000000e+00 : f32
    %broadcast_in_dim3A_3 = vector.broadcast %broadcast_in_dim3A : f32 to vector<16xf32>
    %scan3A = arith.constant 0 : i32
    %scan3A_4 = arith.constant 0 : i32
    %scan3A_5 = arith.constant 640 : i32
    %scan3A_6 = arith.addi %scan3A_4, %scan3A_5 : i32
    %scan3A_7 = arith.constant 1 : i32
    scf.for %scan3A_17 = %scan3A_4 to %scan3A_6 step %scan3A_7  : i32 {
      %mul3A_18 = arith.constant 16 : i32
      %mul3A_19 = arith.muli %scan3A_17, %mul3A_18 : i32
      %swap3A = arith.index_cast %mul3A_19 : i32 to index
      %swap3A_20 = tpu.vector_load %arg5[%swap3A] {strides = array<i32>} : memref<10240xf32, #tpu.memory_space<vmem>>, vector<16xf32>,
      tpu.vector_store %arg5[%swap3A], %broadcast_in_dim3A_3 {strides = array<i32>} : memref<10240xf32, #tpu.memory_space<vmem>>, vector<16xf32>,
    }
    %scan3A_8 = arith.constant 640 : i32
    %broadcast_in_dim3A_9 = arith.constant 1.000000e+00 : f32
    %broadcast_in_dim3A_10 = vector.broadcast %broadcast_in_dim3A_9 : f32 to vector<16xf32>
    %scan3A_11 = arith.constant 0 : i32
    %scan3A_12 = arith.constant 0 : i32
    %scan3A_13 = arith.constant 80 : i32
    %scan3A_14 = arith.addi %scan3A_12, %scan3A_13 : i32
    %scan3A_15 = arith.constant 1 : i32
    scf.for %scan3A_17 = %scan3A_12 to %scan3A_14 step %scan3A_15  : i32 {
      %get3A = arith.index_cast %scan3A_17 : i32 to index
      %get3A_18 = arith.constant 0 : index
      %get3A_19 = tpu.vector_load %arg4[%get3A, %get3A_18] {strides = array<i32>} : memref<80x128xi32, #tpu.memory_space<vmem>>, vector<16xi32>,
      tpu.vector_store_idx %arg5[%get3A_19], %broadcast_in_dim3A_10 {add = true} : memref<10240xf32, #tpu.memory_space<vmem>>[vector<16xi32>], vector<16xf32>,
      %get3A_20 = arith.index_cast %scan3A_17 : i32 to index
      %get3A_21 = arith.constant 16 : index
      %get3A_22 = tpu.vector_load %arg4[%get3A_20, %get3A_21] {strides = array<i32>} : memref<80x128xi32, #tpu.memory_space<vmem>>, vector<16xi32>,
      tpu.vector_store_idx %arg5[%get3A_22], %broadcast_in_dim3A_10 {add = true} : memref<10240xf32, #tpu.memory_space<vmem>>[vector<16xi32>], vector<16xf32>,
      %get3A_23 = arith.index_cast %scan3A_17 : i32 to index
      %get3A_24 = arith.constant 32 : index
      %get3A_25 = tpu.vector_load %arg4[%get3A_23, %get3A_24] {strides = array<i32>} : memref<80x128xi32, #tpu.memory_space<vmem>>, vector<16xi32>,
      tpu.vector_store_idx %arg5[%get3A_25], %broadcast_in_dim3A_10 {add = true} : memref<10240xf32, #tpu.memory_space<vmem>>[vector<16xi32>], vector<16xf32>,
      %get3A_26 = arith.index_cast %scan3A_17 : i32 to index
      %get3A_27 = arith.constant 48 : index
      %get3A_28 = tpu.vector_load %arg4[%get3A_26, %get3A_27] {strides = array<i32>} : memref<80x128xi32, #tpu.memory_space<vmem>>, vector<16xi32>,
      tpu.vector_store_idx %arg5[%get3A_28], %broadcast_in_dim3A_10 {add = true} : memref<10240xf32, #tpu.memory_space<vmem>>[vector<16xi32>], vector<16xf32>,
      %get3A_29 = arith.index_cast %scan3A_17 : i32 to index
      %get3A_30 = arith.constant 64 : index
      %get3A_31 = tpu.vector_load %arg4[%get3A_29, %get3A_30] {strides = array<i32>} : memref<80x128xi32, #tpu.memory_space<vmem>>, vector<16xi32>,
      tpu.vector_store_idx %arg5[%get3A_31], %broadcast_in_dim3A_10 {add = true} : memref<10240xf32, #tpu.memory_space<vmem>>[vector<16xi32>], vector<16xf32>,
      %get3A_32 = arith.index_cast %scan3A_17 : i32 to index
      %get3A_33 = arith.constant 80 : index
      %get3A_34 = tpu.vector_load %arg4[%get3A_32, %get3A_33] {strides = array<i32>} : memref<80x128xi32, #tpu.memory_space<vmem>>, vector<16xi32>,
      tpu.vector_store_idx %arg5[%get3A_34], %broadcast_in_dim3A_10 {add = true} : memref<10240xf32, #tpu.memory_space<vmem>>[vector<16xi32>], vector<16xf32>,
      %get3A_35 = arith.index_cast %scan3A_17 : i32 to index
      %get3A_36 = arith.constant 96 : index
      %get3A_37 = tpu.vector_load %arg4[%get3A_35, %get3A_36] {strides = array<i32>} : memref<80x128xi32, #tpu.memory_space<vmem>>, vector<16xi32>,
      tpu.vector_store_idx %arg5[%get3A_37], %broadcast_in_dim3A_10 {add = true} : memref<10240xf32, #tpu.memory_space<vmem>>[vector<16xi32>], vector<16xf32>,
      %get3A_38 = arith.index_cast %scan3A_17 : i32 to index
      %get3A_39 = arith.constant 112 : index
      %get3A_40 = tpu.vector_load %arg4[%get3A_38, %get3A_39] {strides = array<i32>} : memref<80x128xi32, #tpu.memory_space<vmem>>, vector<16xi32>,
      tpu.vector_store_idx %arg5[%get3A_40], %broadcast_in_dim3A_10 {add = true} : memref<10240xf32, #tpu.memory_space<vmem>>[vector<16xi32>], vector<16xf32>,
    }
    %scan3A_16 = arith.constant 80 : i32
    "tpu.region"() ({
      %run_scoped3A = tpu.sem_alloc : memref<!tpu.dma_semaphore, #tpu.memory_space<semaphore_mem>>
      %dma_start3A = arith.constant 0 : i32
      %dma_start3A_17 = tpu.memref_slice %arg3[%add3A, %dma_start3A] : memref<32x10240xf32, #tpu.memory_space<hbm>> -> memref<1x10240xf32, #tpu.memory_space<hbm>>
      %dma_start3A_18 = tpu.memref_squeeze %dma_start3A_17 : memref<1x10240xf32, #tpu.memory_space<hbm>> -> memref<10240xf32, #tpu.memory_space<hbm>>
      %dma_start3A_19 = arith.constant 0 : i32
      %dma_start3A_20 = tpu.memref_slice %arg3[%add3A, %dma_start3A_19] : memref<32x10240xf32, #tpu.memory_space<hbm>> -> memref<1x10240xf32, #tpu.memory_space<hbm>>
      %dma_start3A_21 = tpu.memref_squeeze %dma_start3A_20 : memref<1x10240xf32, #tpu.memory_space<hbm>> -> memref<10240xf32, #tpu.memory_space<hbm>>
      tpu.enqueue_dma source(%arg5 : memref<10240xf32, #tpu.memory_space<vmem>>) target(%dma_start3A_21 : memref<10240xf32, #tpu.memory_space<hbm>>) target_semaphore(%run_scoped3A : memref<!tpu.dma_semaphore, #tpu.memory_space<semaphore_mem>>)
      %dma_wait3A = arith.constant 0 : i32
      %dma_wait3A_22 = tpu.memref_slice %arg3[%add3A, %dma_wait3A] : memref<32x10240xf32, #tpu.memory_space<hbm>> -> memref<1x10240xf32, #tpu.memory_space<hbm>>
      %dma_wait3A_23 = tpu.memref_squeeze %dma_wait3A_22 : memref<1x10240xf32, #tpu.memory_space<hbm>> -> memref<10240xf32, #tpu.memory_space<hbm>>
      %dma_wait3A_24 = arith.constant 0 : i32
      %dma_wait3A_25 = tpu.memref_slice %arg3[%add3A, %dma_wait3A_24] : memref<32x10240xf32, #tpu.memory_space<hbm>> -> memref<1x10240xf32, #tpu.memory_space<hbm>>
      %dma_wait3A_26 = tpu.memref_squeeze %dma_wait3A_25 : memref<1x10240xf32, #tpu.memory_space<hbm>> -> memref<10240xf32, #tpu.memory_space<hbm>>
      tpu.wait_dma2 semaphore(%run_scoped3A : memref<!tpu.dma_semaphore, #tpu.memory_space<semaphore_mem>>) src(%arg5 : memref<10240xf32, #tpu.memory_space<vmem>>) dst(%dma_wait3A_26 : memref<10240xf32, #tpu.memory_space<hbm>>)
      tpu.yield
    }) : () -> ()
    return
  }
}

#map = affine_map<(d0, d1) -> (0, 0)>
#map1 = affine_map<(d0, d1) -> (0, 0, 0)>
module attributes {stable_mosaic.version = 14 : i64} {
  func.func @_agg4_body(%arg0: i32, %arg1: i32, %arg2: memref<4x10000xf32, #tpu.memory_space<hbm>>, %arg3: memref<2560x128xi32, #tpu.memory_space<hbm>>, %arg4: memref<2560x128xi32, #tpu.memory_space<hbm>>, %arg5: memref<4x32x10240xf32, #tpu.memory_space<hbm>>, %arg6: memref<80x128xi32, #tpu.memory_space<vmem>>, %arg7: memref<80x128xi32, #tpu.memory_space<vmem>>, %arg8: memref<2x10000xf32, #tpu.memory_space<vmem>>, %arg9: memref<2x10240xf32, #tpu.memory_space<vmem>>, %arg10: memref<!tpu.dma_semaphore, #tpu.memory_space<semaphore_mem>>) attributes {dimension_semantics = [#tpu.dimension_semantics<core_parallel>, #tpu.dimension_semantics<subcore_parallel>], iteration_bounds = array<i64: 2, 16>, scalar_prefetch = 0 : i64, scratch_operands = 5 : i64, tpu.core_type = #tpu.core_type<sc_vector_subcore>, window_params = [{transform_indices = #map}, {transform_indices = #map}, {transform_indices = #map}, {transform_indices = #map1}]} {
    %mul3A = arith.constant 16 : i32
    %mul3A_0 = arith.muli %arg0, %mul3A : i32
    %add3A = arith.addi %mul3A_0, %arg1 : i32
    %mul3A_1 = arith.constant 80 : i32
    %mul3A_2 = arith.muli %add3A, %mul3A_1 : i32
    "tpu.region"() ({
      %run_scoped3A_38 = tpu.sem_alloc : memref<!tpu.dma_semaphore, #tpu.memory_space<semaphore_mem>>
      %dma_start3A = arith.constant 0 : i32
      %dma_start3A_39 = tpu.memref_slice %arg3[%mul3A_2, %dma_start3A] : memref<2560x128xi32, #tpu.memory_space<hbm>> -> memref<80x128xi32, #tpu.memory_space<hbm>>
      %dma_start3A_40 = arith.constant 0 : i32
      %dma_start3A_41 = tpu.memref_slice %arg3[%mul3A_2, %dma_start3A_40] : memref<2560x128xi32, #tpu.memory_space<hbm>> -> memref<80x128xi32, #tpu.memory_space<hbm>>
      tpu.enqueue_dma source(%dma_start3A_41 : memref<80x128xi32, #tpu.memory_space<hbm>>) target(%arg6 : memref<80x128xi32, #tpu.memory_space<vmem>>) target_semaphore(%run_scoped3A_38 : memref<!tpu.dma_semaphore, #tpu.memory_space<semaphore_mem>>)
      %dma_wait3A = arith.constant 0 : i32
      %dma_wait3A_42 = tpu.memref_slice %arg3[%mul3A_2, %dma_wait3A] : memref<2560x128xi32, #tpu.memory_space<hbm>> -> memref<80x128xi32, #tpu.memory_space<hbm>>
      %dma_wait3A_43 = arith.constant 0 : i32
      %dma_wait3A_44 = tpu.memref_slice %arg3[%mul3A_2, %dma_wait3A_43] : memref<2560x128xi32, #tpu.memory_space<hbm>> -> memref<80x128xi32, #tpu.memory_space<hbm>>
      tpu.wait_dma2 semaphore(%run_scoped3A_38 : memref<!tpu.dma_semaphore, #tpu.memory_space<semaphore_mem>>) src(%dma_wait3A_44 : memref<80x128xi32, #tpu.memory_space<hbm>>) dst(%arg6 : memref<80x128xi32, #tpu.memory_space<vmem>>)
      tpu.yield
    }) : () -> ()
    "tpu.region"() ({
      %run_scoped3A_38 = tpu.sem_alloc : memref<!tpu.dma_semaphore, #tpu.memory_space<semaphore_mem>>
      %dma_start3A = arith.constant 0 : i32
      %dma_start3A_39 = tpu.memref_slice %arg4[%mul3A_2, %dma_start3A] : memref<2560x128xi32, #tpu.memory_space<hbm>> -> memref<80x128xi32, #tpu.memory_space<hbm>>
      %dma_start3A_40 = arith.constant 0 : i32
      %dma_start3A_41 = tpu.memref_slice %arg4[%mul3A_2, %dma_start3A_40] : memref<2560x128xi32, #tpu.memory_space<hbm>> -> memref<80x128xi32, #tpu.memory_space<hbm>>
      tpu.enqueue_dma source(%dma_start3A_41 : memref<80x128xi32, #tpu.memory_space<hbm>>) target(%arg7 : memref<80x128xi32, #tpu.memory_space<vmem>>) target_semaphore(%run_scoped3A_38 : memref<!tpu.dma_semaphore, #tpu.memory_space<semaphore_mem>>)
      %dma_wait3A = arith.constant 0 : i32
      %dma_wait3A_42 = tpu.memref_slice %arg4[%mul3A_2, %dma_wait3A] : memref<2560x128xi32, #tpu.memory_space<hbm>> -> memref<80x128xi32, #tpu.memory_space<hbm>>
      %dma_wait3A_43 = arith.constant 0 : i32
      %dma_wait3A_44 = tpu.memref_slice %arg4[%mul3A_2, %dma_wait3A_43] : memref<2560x128xi32, #tpu.memory_space<hbm>> -> memref<80x128xi32, #tpu.memory_space<hbm>>
      tpu.wait_dma2 semaphore(%run_scoped3A_38 : memref<!tpu.dma_semaphore, #tpu.memory_space<semaphore_mem>>) src(%dma_wait3A_44 : memref<80x128xi32, #tpu.memory_space<hbm>>) dst(%arg7 : memref<80x128xi32, #tpu.memory_space<vmem>>)
      tpu.yield
    }) : () -> ()
    %broadcast_in_dim3A = arith.constant 0.000000e+00 : f32
    %broadcast_in_dim3A_3 = vector.broadcast %broadcast_in_dim3A : f32 to vector<16xf32>
    %broadcast_in_dim3A_4 = arith.constant 0 : i32
    %broadcast_in_dim3A_5 = vector.broadcast %broadcast_in_dim3A_4 : i32 to vector<16xi32>
    %broadcast_in_dim3A_6 = arith.constant 1 : i32
    %broadcast_in_dim3A_7 = vector.broadcast %broadcast_in_dim3A_6 : i32 to vector<16xi32>
    "tpu.region"() ({
      %run_scoped3A_38 = tpu.sem_alloc : memref<!tpu.dma_semaphore, #tpu.memory_space<semaphore_mem>>
      %dma_start3A = arith.constant 0 : i32
      %dma_start3A_39 = arith.constant 0 : i32
      %dma_start3A_40 = tpu.memref_slice %arg2[%dma_start3A, %dma_start3A_39] : memref<4x10000xf32, #tpu.memory_space<hbm>> -> memref<2x10000xf32, #tpu.memory_space<hbm>>
      %dma_start3A_41 = arith.constant 0 : i32
      %dma_start3A_42 = arith.constant 0 : i32
      %dma_start3A_43 = tpu.memref_slice %arg2[%dma_start3A_41, %dma_start3A_42] : memref<4x10000xf32, #tpu.memory_space<hbm>> -> memref<2x10000xf32, #tpu.memory_space<hbm>>
      tpu.enqueue_dma source(%dma_start3A_43 : memref<2x10000xf32, #tpu.memory_space<hbm>>) target(%arg8 : memref<2x10000xf32, #tpu.memory_space<vmem>>) target_semaphore(%run_scoped3A_38 : memref<!tpu.dma_semaphore, #tpu.memory_space<semaphore_mem>>)
      %dma_wait3A = arith.constant 0 : i32
      %dma_wait3A_44 = arith.constant 0 : i32
      %dma_wait3A_45 = tpu.memref_slice %arg2[%dma_wait3A, %dma_wait3A_44] : memref<4x10000xf32, #tpu.memory_space<hbm>> -> memref<2x10000xf32, #tpu.memory_space<hbm>>
      %dma_wait3A_46 = arith.constant 0 : i32
      %dma_wait3A_47 = arith.constant 0 : i32
      %dma_wait3A_48 = tpu.memref_slice %arg2[%dma_wait3A_46, %dma_wait3A_47] : memref<4x10000xf32, #tpu.memory_space<hbm>> -> memref<2x10000xf32, #tpu.memory_space<hbm>>
      tpu.wait_dma2 semaphore(%run_scoped3A_38 : memref<!tpu.dma_semaphore, #tpu.memory_space<semaphore_mem>>) src(%dma_wait3A_48 : memref<2x10000xf32, #tpu.memory_space<hbm>>) dst(%arg8 : memref<2x10000xf32, #tpu.memory_space<vmem>>)
      tpu.yield
    }) : () -> ()
    %scan3A = arith.constant 0 : i32
    %scan3A_8 = arith.constant 0 : i32
    %scan3A_9 = arith.constant 640 : i32
    %scan3A_10 = arith.addi %scan3A_8, %scan3A_9 : i32
    %scan3A_11 = arith.constant 1 : i32
    scf.for %scan3A_38 = %scan3A_8 to %scan3A_10 step %scan3A_11  : i32 {
      %mul3A_39 = arith.constant 16 : i32
      %mul3A_40 = arith.muli %scan3A_38, %mul3A_39 : i32
      %swap3A = arith.constant 0 : i32
      %swap3A_41 = arith.index_cast %swap3A : i32 to index
      %swap3A_42 = arith.index_cast %mul3A_40 : i32 to index
      %swap3A_43 = tpu.vector_load %arg9[%swap3A_41, %swap3A_42] {strides = array<i32>} : memref<2x10240xf32, #tpu.memory_space<vmem>>, vector<16xf32>,
      tpu.vector_store %arg9[%swap3A_41, %swap3A_42], %broadcast_in_dim3A_3 {strides = array<i32>} : memref<2x10240xf32, #tpu.memory_space<vmem>>, vector<16xf32>,
      %mul3A_44 = arith.constant 16 : i32
      %mul3A_45 = arith.muli %scan3A_38, %mul3A_44 : i32
      %swap3A_46 = arith.constant 1 : i32
      %swap3A_47 = arith.index_cast %swap3A_46 : i32 to index
      %swap3A_48 = arith.index_cast %mul3A_45 : i32 to index
      %swap3A_49 = tpu.vector_load %arg9[%swap3A_47, %swap3A_48] {strides = array<i32>} : memref<2x10240xf32, #tpu.memory_space<vmem>>, vector<16xf32>,
      tpu.vector_store %arg9[%swap3A_47, %swap3A_48], %broadcast_in_dim3A_3 {strides = array<i32>} : memref<2x10240xf32, #tpu.memory_space<vmem>>, vector<16xf32>,
    }
    %scan3A_12 = arith.constant 640 : i32
    %scan3A_13 = arith.constant 0 : i32
    %scan3A_14 = arith.constant 0 : i32
    %scan3A_15 = arith.constant 80 : i32
    %scan3A_16 = arith.addi %scan3A_14, %scan3A_15 : i32
    %scan3A_17 = arith.constant 1 : i32
    scf.for %scan3A_38 = %scan3A_14 to %scan3A_16 step %scan3A_17  : i32 {
      %get3A = arith.index_cast %scan3A_38 : i32 to index
      %get3A_39 = arith.constant 0 : index
      %get3A_40 = tpu.vector_load %arg6[%get3A, %get3A_39] {strides = array<i32>} : memref<80x128xi32, #tpu.memory_space<vmem>>, vector<16xi32>,
      %get3A_41 = arith.index_cast %scan3A_38 : i32 to index
      %get3A_42 = arith.constant 0 : index
      %get3A_43 = tpu.vector_load %arg7[%get3A_41, %get3A_42] {strides = array<i32>} : memref<80x128xi32, #tpu.memory_space<vmem>>, vector<16xi32>,
      %gather3A = tpu.vector_load_idx %arg8[%broadcast_in_dim3A_5, %get3A_40] : memref<2x10000xf32, #tpu.memory_space<vmem>>[vector<16xi32>, vector<16xi32>], vector<16xf32>,
      tpu.vector_store_idx %arg9[%broadcast_in_dim3A_5, %get3A_43], %gather3A {add = true} : memref<2x10240xf32, #tpu.memory_space<vmem>>[vector<16xi32>, vector<16xi32>], vector<16xf32>,
      %gather3A_44 = tpu.vector_load_idx %arg8[%broadcast_in_dim3A_7, %get3A_40] : memref<2x10000xf32, #tpu.memory_space<vmem>>[vector<16xi32>, vector<16xi32>], vector<16xf32>,
      tpu.vector_store_idx %arg9[%broadcast_in_dim3A_7, %get3A_43], %gather3A_44 {add = true} : memref<2x10240xf32, #tpu.memory_space<vmem>>[vector<16xi32>, vector<16xi32>], vector<16xf32>,
      %get3A_45 = arith.index_cast %scan3A_38 : i32 to index
      %get3A_46 = arith.constant 16 : index
      %get3A_47 = tpu.vector_load %arg6[%get3A_45, %get3A_46] {strides = array<i32>} : memref<80x128xi32, #tpu.memory_space<vmem>>, vector<16xi32>,
      %get3A_48 = arith.index_cast %scan3A_38 : i32 to index
      %get3A_49 = arith.constant 16 : index
      %get3A_50 = tpu.vector_load %arg7[%get3A_48, %get3A_49] {strides = array<i32>} : memref<80x128xi32, #tpu.memory_space<vmem>>, vector<16xi32>,
      %gather3A_51 = tpu.vector_load_idx %arg8[%broadcast_in_dim3A_5, %get3A_47] : memref<2x10000xf32, #tpu.memory_space<vmem>>[vector<16xi32>, vector<16xi32>], vector<16xf32>,
      tpu.vector_store_idx %arg9[%broadcast_in_dim3A_5, %get3A_50], %gather3A_51 {add = true} : memref<2x10240xf32, #tpu.memory_space<vmem>>[vector<16xi32>, vector<16xi32>], vector<16xf32>,
      %gather3A_52 = tpu.vector_load_idx %arg8[%broadcast_in_dim3A_7, %get3A_47] : memref<2x10000xf32, #tpu.memory_space<vmem>>[vector<16xi32>, vector<16xi32>], vector<16xf32>,
      tpu.vector_store_idx %arg9[%broadcast_in_dim3A_7, %get3A_50], %gather3A_52 {add = true} : memref<2x10240xf32, #tpu.memory_space<vmem>>[vector<16xi32>, vector<16xi32>], vector<16xf32>,
      %get3A_53 = arith.index_cast %scan3A_38 : i32 to index
      %get3A_54 = arith.constant 32 : index
      %get3A_55 = tpu.vector_load %arg6[%get3A_53, %get3A_54] {strides = array<i32>} : memref<80x128xi32, #tpu.memory_space<vmem>>, vector<16xi32>,
      %get3A_56 = arith.index_cast %scan3A_38 : i32 to index
      %get3A_57 = arith.constant 32 : index
      %get3A_58 = tpu.vector_load %arg7[%get3A_56, %get3A_57] {strides = array<i32>} : memref<80x128xi32, #tpu.memory_space<vmem>>, vector<16xi32>,
      %gather3A_59 = tpu.vector_load_idx %arg8[%broadcast_in_dim3A_5, %get3A_55] : memref<2x10000xf32, #tpu.memory_space<vmem>>[vector<16xi32>, vector<16xi32>], vector<16xf32>,
      tpu.vector_store_idx %arg9[%broadcast_in_dim3A_5, %get3A_58], %gather3A_59 {add = true} : memref<2x10240xf32, #tpu.memory_space<vmem>>[vector<16xi32>, vector<16xi32>], vector<16xf32>,
      %gather3A_60 = tpu.vector_load_idx %arg8[%broadcast_in_dim3A_7, %get3A_55] : memref<2x10000xf32, #tpu.memory_space<vmem>>[vector<16xi32>, vector<16xi32>], vector<16xf32>,
      tpu.vector_store_idx %arg9[%broadcast_in_dim3A_7, %get3A_58], %gather3A_60 {add = true} : memref<2x10240xf32, #tpu.memory_space<vmem>>[vector<16xi32>, vector<16xi32>], vector<16xf32>,
      %get3A_61 = arith.index_cast %scan3A_38 : i32 to index
      %get3A_62 = arith.constant 48 : index
      %get3A_63 = tpu.vector_load %arg6[%get3A_61, %get3A_62] {strides = array<i32>} : memref<80x128xi32, #tpu.memory_space<vmem>>, vector<16xi32>,
      %get3A_64 = arith.index_cast %scan3A_38 : i32 to index
      %get3A_65 = arith.constant 48 : index
      %get3A_66 = tpu.vector_load %arg7[%get3A_64, %get3A_65] {strides = array<i32>} : memref<80x128xi32, #tpu.memory_space<vmem>>, vector<16xi32>,
      %gather3A_67 = tpu.vector_load_idx %arg8[%broadcast_in_dim3A_5, %get3A_63] : memref<2x10000xf32, #tpu.memory_space<vmem>>[vector<16xi32>, vector<16xi32>], vector<16xf32>,
      tpu.vector_store_idx %arg9[%broadcast_in_dim3A_5, %get3A_66], %gather3A_67 {add = true} : memref<2x10240xf32, #tpu.memory_space<vmem>>[vector<16xi32>, vector<16xi32>], vector<16xf32>,
      %gather3A_68 = tpu.vector_load_idx %arg8[%broadcast_in_dim3A_7, %get3A_63] : memref<2x10000xf32, #tpu.memory_space<vmem>>[vector<16xi32>, vector<16xi32>], vector<16xf32>,
      tpu.vector_store_idx %arg9[%broadcast_in_dim3A_7, %get3A_66], %gather3A_68 {add = true} : memref<2x10240xf32, #tpu.memory_space<vmem>>[vector<16xi32>, vector<16xi32>], vector<16xf32>,
      %get3A_69 = arith.index_cast %scan3A_38 : i32 to index
      %get3A_70 = arith.constant 64 : index
      %get3A_71 = tpu.vector_load %arg6[%get3A_69, %get3A_70] {strides = array<i32>} : memref<80x128xi32, #tpu.memory_space<vmem>>, vector<16xi32>,
      %get3A_72 = arith.index_cast %scan3A_38 : i32 to index
      %get3A_73 = arith.constant 64 : index
      %get3A_74 = tpu.vector_load %arg7[%get3A_72, %get3A_73] {strides = array<i32>} : memref<80x128xi32, #tpu.memory_space<vmem>>, vector<16xi32>,
      %gather3A_75 = tpu.vector_load_idx %arg8[%broadcast_in_dim3A_5, %get3A_71] : memref<2x10000xf32, #tpu.memory_space<vmem>>[vector<16xi32>, vector<16xi32>], vector<16xf32>,
      tpu.vector_store_idx %arg9[%broadcast_in_dim3A_5, %get3A_74], %gather3A_75 {add = true} : memref<2x10240xf32, #tpu.memory_space<vmem>>[vector<16xi32>, vector<16xi32>], vector<16xf32>,
      %gather3A_76 = tpu.vector_load_idx %arg8[%broadcast_in_dim3A_7, %get3A_71] : memref<2x10000xf32, #tpu.memory_space<vmem>>[vector<16xi32>, vector<16xi32>], vector<16xf32>,
      tpu.vector_store_idx %arg9[%broadcast_in_dim3A_7, %get3A_74], %gather3A_76 {add = true} : memref<2x10240xf32, #tpu.memory_space<vmem>>[vector<16xi32>, vector<16xi32>], vector<16xf32>,
      %get3A_77 = arith.index_cast %scan3A_38 : i32 to index
      %get3A_78 = arith.constant 80 : index
      %get3A_79 = tpu.vector_load %arg6[%get3A_77, %get3A_78] {strides = array<i32>} : memref<80x128xi32, #tpu.memory_space<vmem>>, vector<16xi32>,
      %get3A_80 = arith.index_cast %scan3A_38 : i32 to index
      %get3A_81 = arith.constant 80 : index
      %get3A_82 = tpu.vector_load %arg7[%get3A_80, %get3A_81] {strides = array<i32>} : memref<80x128xi32, #tpu.memory_space<vmem>>, vector<16xi32>,
      %gather3A_83 = tpu.vector_load_idx %arg8[%broadcast_in_dim3A_5, %get3A_79] : memref<2x10000xf32, #tpu.memory_space<vmem>>[vector<16xi32>, vector<16xi32>], vector<16xf32>,
      tpu.vector_store_idx %arg9[%broadcast_in_dim3A_5, %get3A_82], %gather3A_83 {add = true} : memref<2x10240xf32, #tpu.memory_space<vmem>>[vector<16xi32>, vector<16xi32>], vector<16xf32>,
      %gather3A_84 = tpu.vector_load_idx %arg8[%broadcast_in_dim3A_7, %get3A_79] : memref<2x10000xf32, #tpu.memory_space<vmem>>[vector<16xi32>, vector<16xi32>], vector<16xf32>,
      tpu.vector_store_idx %arg9[%broadcast_in_dim3A_7, %get3A_82], %gather3A_84 {add = true} : memref<2x10240xf32, #tpu.memory_space<vmem>>[vector<16xi32>, vector<16xi32>], vector<16xf32>,
      %get3A_85 = arith.index_cast %scan3A_38 : i32 to index
      %get3A_86 = arith.constant 96 : index
      %get3A_87 = tpu.vector_load %arg6[%get3A_85, %get3A_86] {strides = array<i32>} : memref<80x128xi32, #tpu.memory_space<vmem>>, vector<16xi32>,
      %get3A_88 = arith.index_cast %scan3A_38 : i32 to index
      %get3A_89 = arith.constant 96 : index
      %get3A_90 = tpu.vector_load %arg7[%get3A_88, %get3A_89] {strides = array<i32>} : memref<80x128xi32, #tpu.memory_space<vmem>>, vector<16xi32>,
      %gather3A_91 = tpu.vector_load_idx %arg8[%broadcast_in_dim3A_5, %get3A_87] : memref<2x10000xf32, #tpu.memory_space<vmem>>[vector<16xi32>, vector<16xi32>], vector<16xf32>,
      tpu.vector_store_idx %arg9[%broadcast_in_dim3A_5, %get3A_90], %gather3A_91 {add = true} : memref<2x10240xf32, #tpu.memory_space<vmem>>[vector<16xi32>, vector<16xi32>], vector<16xf32>,
      %gather3A_92 = tpu.vector_load_idx %arg8[%broadcast_in_dim3A_7, %get3A_87] : memref<2x10000xf32, #tpu.memory_space<vmem>>[vector<16xi32>, vector<16xi32>], vector<16xf32>,
      tpu.vector_store_idx %arg9[%broadcast_in_dim3A_7, %get3A_90], %gather3A_92 {add = true} : memref<2x10240xf32, #tpu.memory_space<vmem>>[vector<16xi32>, vector<16xi32>], vector<16xf32>,
      %get3A_93 = arith.index_cast %scan3A_38 : i32 to index
      %get3A_94 = arith.constant 112 : index
      %get3A_95 = tpu.vector_load %arg6[%get3A_93, %get3A_94] {strides = array<i32>} : memref<80x128xi32, #tpu.memory_space<vmem>>, vector<16xi32>,
      %get3A_96 = arith.index_cast %scan3A_38 : i32 to index
      %get3A_97 = arith.constant 112 : index
      %get3A_98 = tpu.vector_load %arg7[%get3A_96, %get3A_97] {strides = array<i32>} : memref<80x128xi32, #tpu.memory_space<vmem>>, vector<16xi32>,
      %gather3A_99 = tpu.vector_load_idx %arg8[%broadcast_in_dim3A_5, %get3A_95] : memref<2x10000xf32, #tpu.memory_space<vmem>>[vector<16xi32>, vector<16xi32>], vector<16xf32>,
      tpu.vector_store_idx %arg9[%broadcast_in_dim3A_5, %get3A_98], %gather3A_99 {add = true} : memref<2x10240xf32, #tpu.memory_space<vmem>>[vector<16xi32>, vector<16xi32>], vector<16xf32>,
      %gather3A_100 = tpu.vector_load_idx %arg8[%broadcast_in_dim3A_7, %get3A_95] : memref<2x10000xf32, #tpu.memory_space<vmem>>[vector<16xi32>, vector<16xi32>], vector<16xf32>,
      tpu.vector_store_idx %arg9[%broadcast_in_dim3A_7, %get3A_98], %gather3A_100 {add = true} : memref<2x10240xf32, #tpu.memory_space<vmem>>[vector<16xi32>, vector<16xi32>], vector<16xf32>,
    }
    %scan3A_18 = arith.constant 80 : i32
    %run_scoped3A = arith.constant 0 : i32
    %run_scoped3A_19 = arith.constant 0 : i32
    "tpu.region"() ({
      %run_scoped3A_38 = tpu.sem_alloc : memref<!tpu.dma_semaphore, #tpu.memory_space<semaphore_mem>>
      %dma_start3A = arith.constant 0 : i32
      %dma_start3A_39 = tpu.memref_slice %arg9[%run_scoped3A, %dma_start3A] : memref<2x10240xf32, #tpu.memory_space<vmem>> -> memref<1x10240xf32, #tpu.memory_space<vmem>>
      %dma_start3A_40 = tpu.memref_squeeze %dma_start3A_39 : memref<1x10240xf32, #tpu.memory_space<vmem>> -> memref<10240xf32, #tpu.memory_space<vmem>>
      %dma_start3A_41 = arith.constant 0 : i32
      %dma_start3A_42 = tpu.memref_slice %arg5[%run_scoped3A_19, %add3A, %dma_start3A_41] : memref<4x32x10240xf32, #tpu.memory_space<hbm>> -> memref<1x1x10240xf32, #tpu.memory_space<hbm>>
      %dma_start3A_43 = tpu.memref_squeeze %dma_start3A_42 : memref<1x1x10240xf32, #tpu.memory_space<hbm>> -> memref<10240xf32, #tpu.memory_space<hbm>>
      %dma_start3A_44 = arith.constant 0 : i32
      %dma_start3A_45 = tpu.memref_slice %arg5[%run_scoped3A_19, %add3A, %dma_start3A_44] : memref<4x32x10240xf32, #tpu.memory_space<hbm>> -> memref<1x1x10240xf32, #tpu.memory_space<hbm>>
      %dma_start3A_46 = tpu.memref_squeeze %dma_start3A_45 : memref<1x1x10240xf32, #tpu.memory_space<hbm>> -> memref<10240xf32, #tpu.memory_space<hbm>>
      %dma_start3A_47 = arith.constant 0 : i32
      %dma_start3A_48 = tpu.memref_slice %arg9[%run_scoped3A, %dma_start3A_47] : memref<2x10240xf32, #tpu.memory_space<vmem>> -> memref<1x10240xf32, #tpu.memory_space<vmem>>
      %dma_start3A_49 = tpu.memref_squeeze %dma_start3A_48 : memref<1x10240xf32, #tpu.memory_space<vmem>> -> memref<10240xf32, #tpu.memory_space<vmem>>
      tpu.enqueue_dma source(%dma_start3A_49 : memref<10240xf32, #tpu.memory_space<vmem>>) target(%dma_start3A_46 : memref<10240xf32, #tpu.memory_space<hbm>>) target_semaphore(%run_scoped3A_38 : memref<!tpu.dma_semaphore, #tpu.memory_space<semaphore_mem>>)
      %dma_wait3A = arith.constant 0 : i32
      %dma_wait3A_50 = tpu.memref_slice %arg9[%run_scoped3A, %dma_wait3A] : memref<2x10240xf32, #tpu.memory_space<vmem>> -> memref<1x10240xf32, #tpu.memory_space<vmem>>
      %dma_wait3A_51 = tpu.memref_squeeze %dma_wait3A_50 : memref<1x10240xf32, #tpu.memory_space<vmem>> -> memref<10240xf32, #tpu.memory_space<vmem>>
      %dma_wait3A_52 = arith.constant 0 : i32
      %dma_wait3A_53 = tpu.memref_slice %arg5[%run_scoped3A_19, %add3A, %dma_wait3A_52] : memref<4x32x10240xf32, #tpu.memory_space<hbm>> -> memref<1x1x10240xf32, #tpu.memory_space<hbm>>
      %dma_wait3A_54 = tpu.memref_squeeze %dma_wait3A_53 : memref<1x1x10240xf32, #tpu.memory_space<hbm>> -> memref<10240xf32, #tpu.memory_space<hbm>>
      %dma_wait3A_55 = arith.constant 0 : i32
      %dma_wait3A_56 = tpu.memref_slice %arg5[%run_scoped3A_19, %add3A, %dma_wait3A_55] : memref<4x32x10240xf32, #tpu.memory_space<hbm>> -> memref<1x1x10240xf32, #tpu.memory_space<hbm>>
      %dma_wait3A_57 = tpu.memref_squeeze %dma_wait3A_56 : memref<1x1x10240xf32, #tpu.memory_space<hbm>> -> memref<10240xf32, #tpu.memory_space<hbm>>
      %dma_wait3A_58 = arith.constant 0 : i32
      %dma_wait3A_59 = tpu.memref_slice %arg9[%run_scoped3A, %dma_wait3A_58] : memref<2x10240xf32, #tpu.memory_space<vmem>> -> memref<1x10240xf32, #tpu.memory_space<vmem>>
      %dma_wait3A_60 = tpu.memref_squeeze %dma_wait3A_59 : memref<1x10240xf32, #tpu.memory_space<vmem>> -> memref<10240xf32, #tpu.memory_space<vmem>>
      tpu.wait_dma2 semaphore(%run_scoped3A_38 : memref<!tpu.dma_semaphore, #tpu.memory_space<semaphore_mem>>) src(%dma_wait3A_60 : memref<10240xf32, #tpu.memory_space<vmem>>) dst(%dma_wait3A_57 : memref<10240xf32, #tpu.memory_space<hbm>>)
      tpu.yield
    }) : () -> ()
    %run_scoped3A_20 = arith.constant 1 : i32
    %run_scoped3A_21 = arith.constant 1 : i32
    "tpu.region"() ({
      %run_scoped3A_38 = tpu.sem_alloc : memref<!tpu.dma_semaphore, #tpu.memory_space<semaphore_mem>>
      %dma_start3A = arith.constant 0 : i32
      %dma_start3A_39 = tpu.memref_slice %arg9[%run_scoped3A_20, %dma_start3A] : memref<2x10240xf32, #tpu.memory_space<vmem>> -> memref<1x10240xf32, #tpu.memory_space<vmem>>
      %dma_start3A_40 = tpu.memref_squeeze %dma_start3A_39 : memref<1x10240xf32, #tpu.memory_space<vmem>> -> memref<10240xf32, #tpu.memory_space<vmem>>
      %dma_start3A_41 = arith.constant 0 : i32
      %dma_start3A_42 = tpu.memref_slice %arg5[%run_scoped3A_21, %add3A, %dma_start3A_41] : memref<4x32x10240xf32, #tpu.memory_space<hbm>> -> memref<1x1x10240xf32, #tpu.memory_space<hbm>>
      %dma_start3A_43 = tpu.memref_squeeze %dma_start3A_42 : memref<1x1x10240xf32, #tpu.memory_space<hbm>> -> memref<10240xf32, #tpu.memory_space<hbm>>
      %dma_start3A_44 = arith.constant 0 : i32
      %dma_start3A_45 = tpu.memref_slice %arg5[%run_scoped3A_21, %add3A, %dma_start3A_44] : memref<4x32x10240xf32, #tpu.memory_space<hbm>> -> memref<1x1x10240xf32, #tpu.memory_space<hbm>>
      %dma_start3A_46 = tpu.memref_squeeze %dma_start3A_45 : memref<1x1x10240xf32, #tpu.memory_space<hbm>> -> memref<10240xf32, #tpu.memory_space<hbm>>
      %dma_start3A_47 = arith.constant 0 : i32
      %dma_start3A_48 = tpu.memref_slice %arg9[%run_scoped3A_20, %dma_start3A_47] : memref<2x10240xf32, #tpu.memory_space<vmem>> -> memref<1x10240xf32, #tpu.memory_space<vmem>>
      %dma_start3A_49 = tpu.memref_squeeze %dma_start3A_48 : memref<1x10240xf32, #tpu.memory_space<vmem>> -> memref<10240xf32, #tpu.memory_space<vmem>>
      tpu.enqueue_dma source(%dma_start3A_49 : memref<10240xf32, #tpu.memory_space<vmem>>) target(%dma_start3A_46 : memref<10240xf32, #tpu.memory_space<hbm>>) target_semaphore(%run_scoped3A_38 : memref<!tpu.dma_semaphore, #tpu.memory_space<semaphore_mem>>)
      %dma_wait3A = arith.constant 0 : i32
      %dma_wait3A_50 = tpu.memref_slice %arg9[%run_scoped3A_20, %dma_wait3A] : memref<2x10240xf32, #tpu.memory_space<vmem>> -> memref<1x10240xf32, #tpu.memory_space<vmem>>
      %dma_wait3A_51 = tpu.memref_squeeze %dma_wait3A_50 : memref<1x10240xf32, #tpu.memory_space<vmem>> -> memref<10240xf32, #tpu.memory_space<vmem>>
      %dma_wait3A_52 = arith.constant 0 : i32
      %dma_wait3A_53 = tpu.memref_slice %arg5[%run_scoped3A_21, %add3A, %dma_wait3A_52] : memref<4x32x10240xf32, #tpu.memory_space<hbm>> -> memref<1x1x10240xf32, #tpu.memory_space<hbm>>
      %dma_wait3A_54 = tpu.memref_squeeze %dma_wait3A_53 : memref<1x1x10240xf32, #tpu.memory_space<hbm>> -> memref<10240xf32, #tpu.memory_space<hbm>>
      %dma_wait3A_55 = arith.constant 0 : i32
      %dma_wait3A_56 = tpu.memref_slice %arg5[%run_scoped3A_21, %add3A, %dma_wait3A_55] : memref<4x32x10240xf32, #tpu.memory_space<hbm>> -> memref<1x1x10240xf32, #tpu.memory_space<hbm>>
      %dma_wait3A_57 = tpu.memref_squeeze %dma_wait3A_56 : memref<1x1x10240xf32, #tpu.memory_space<hbm>> -> memref<10240xf32, #tpu.memory_space<hbm>>
      %dma_wait3A_58 = arith.constant 0 : i32
      %dma_wait3A_59 = tpu.memref_slice %arg9[%run_scoped3A_20, %dma_wait3A_58] : memref<2x10240xf32, #tpu.memory_space<vmem>> -> memref<1x10240xf32, #tpu.memory_space<vmem>>
      %dma_wait3A_60 = tpu.memref_squeeze %dma_wait3A_59 : memref<1x10240xf32, #tpu.memory_space<vmem>> -> memref<10240xf32, #tpu.memory_space<vmem>>
      tpu.wait_dma2 semaphore(%run_scoped3A_38 : memref<!tpu.dma_semaphore, #tpu.memory_space<semaphore_mem>>) src(%dma_wait3A_60 : memref<10240xf32, #tpu.memory_space<vmem>>) dst(%dma_wait3A_57 : memref<10240xf32, #tpu.memory_space<hbm>>)
      tpu.yield
    }) : () -> ()
    "tpu.region"() ({
      %run_scoped3A_38 = tpu.sem_alloc : memref<!tpu.dma_semaphore, #tpu.memory_space<semaphore_mem>>
      %dma_start3A = arith.constant 2 : i32
      %dma_start3A_39 = arith.constant 0 : i32
      %dma_start3A_40 = tpu.memref_slice %arg2[%dma_start3A, %dma_start3A_39] : memref<4x10000xf32, #tpu.memory_space<hbm>> -> memref<2x10000xf32, #tpu.memory_space<hbm>>
      %dma_start3A_41 = arith.constant 2 : i32
      %dma_start3A_42 = arith.constant 0 : i32
      %dma_start3A_43 = tpu.memref_slice %arg2[%dma_start3A_41, %dma_start3A_42] : memref<4x10000xf32, #tpu.memory_space<hbm>> -> memref<2x10000xf32, #tpu.memory_space<hbm>>
      tpu.enqueue_dma source(%dma_start3A_43 : memref<2x10000xf32, #tpu.memory_space<hbm>>) target(%arg8 : memref<2x10000xf32, #tpu.memory_space<vmem>>) target_semaphore(%run_scoped3A_38 : memref<!tpu.dma_semaphore, #tpu.memory_space<semaphore_mem>>)
      %dma_wait3A = arith.constant 2 : i32
      %dma_wait3A_44 = arith.constant 0 : i32
      %dma_wait3A_45 = tpu.memref_slice %arg2[%dma_wait3A, %dma_wait3A_44] : memref<4x10000xf32, #tpu.memory_space<hbm>> -> memref<2x10000xf32, #tpu.memory_space<hbm>>
      %dma_wait3A_46 = arith.constant 2 : i32
      %dma_wait3A_47 = arith.constant 0 : i32
      %dma_wait3A_48 = tpu.memref_slice %arg2[%dma_wait3A_46, %dma_wait3A_47] : memref<4x10000xf32, #tpu.memory_space<hbm>> -> memref<2x10000xf32, #tpu.memory_space<hbm>>
      tpu.wait_dma2 semaphore(%run_scoped3A_38 : memref<!tpu.dma_semaphore, #tpu.memory_space<semaphore_mem>>) src(%dma_wait3A_48 : memref<2x10000xf32, #tpu.memory_space<hbm>>) dst(%arg8 : memref<2x10000xf32, #tpu.memory_space<vmem>>)
      tpu.yield
    }) : () -> ()
    %scan3A_22 = arith.constant 0 : i32
    %scan3A_23 = arith.constant 0 : i32
    %scan3A_24 = arith.constant 640 : i32
    %scan3A_25 = arith.addi %scan3A_23, %scan3A_24 : i32
    %scan3A_26 = arith.constant 1 : i32
    scf.for %scan3A_38 = %scan3A_23 to %scan3A_25 step %scan3A_26  : i32 {
      %mul3A_39 = arith.constant 16 : i32
      %mul3A_40 = arith.muli %scan3A_38, %mul3A_39 : i32
      %swap3A = arith.constant 0 : i32
      %swap3A_41 = arith.index_cast %swap3A : i32 to index
      %swap3A_42 = arith.index_cast %mul3A_40 : i32 to index
      %swap3A_43 = tpu.vector_load %arg9[%swap3A_41, %swap3A_42] {strides = array<i32>} : memref<2x10240xf32, #tpu.memory_space<vmem>>, vector<16xf32>,
      tpu.vector_store %arg9[%swap3A_41, %swap3A_42], %broadcast_in_dim3A_3 {strides = array<i32>} : memref<2x10240xf32, #tpu.memory_space<vmem>>, vector<16xf32>,
      %mul3A_44 = arith.constant 16 : i32
      %mul3A_45 = arith.muli %scan3A_38, %mul3A_44 : i32
      %swap3A_46 = arith.constant 1 : i32
      %swap3A_47 = arith.index_cast %swap3A_46 : i32 to index
      %swap3A_48 = arith.index_cast %mul3A_45 : i32 to index
      %swap3A_49 = tpu.vector_load %arg9[%swap3A_47, %swap3A_48] {strides = array<i32>} : memref<2x10240xf32, #tpu.memory_space<vmem>>, vector<16xf32>,
      tpu.vector_store %arg9[%swap3A_47, %swap3A_48], %broadcast_in_dim3A_3 {strides = array<i32>} : memref<2x10240xf32, #tpu.memory_space<vmem>>, vector<16xf32>,
    }
    %scan3A_27 = arith.constant 640 : i32
    %scan3A_28 = arith.constant 0 : i32
    %scan3A_29 = arith.constant 0 : i32
    %scan3A_30 = arith.constant 80 : i32
    %scan3A_31 = arith.addi %scan3A_29, %scan3A_30 : i32
    %scan3A_32 = arith.constant 1 : i32
    scf.for %scan3A_38 = %scan3A_29 to %scan3A_31 step %scan3A_32  : i32 {
      %get3A = arith.index_cast %scan3A_38 : i32 to index
      %get3A_39 = arith.constant 0 : index
      %get3A_40 = tpu.vector_load %arg6[%get3A, %get3A_39] {strides = array<i32>} : memref<80x128xi32, #tpu.memory_space<vmem>>, vector<16xi32>,
      %get3A_41 = arith.index_cast %scan3A_38 : i32 to index
      %get3A_42 = arith.constant 0 : index
      %get3A_43 = tpu.vector_load %arg7[%get3A_41, %get3A_42] {strides = array<i32>} : memref<80x128xi32, #tpu.memory_space<vmem>>, vector<16xi32>,
      %gather3A = tpu.vector_load_idx %arg8[%broadcast_in_dim3A_5, %get3A_40] : memref<2x10000xf32, #tpu.memory_space<vmem>>[vector<16xi32>, vector<16xi32>], vector<16xf32>,
      tpu.vector_store_idx %arg9[%broadcast_in_dim3A_5, %get3A_43], %gather3A {add = true} : memref<2x10240xf32, #tpu.memory_space<vmem>>[vector<16xi32>, vector<16xi32>], vector<16xf32>,
      %gather3A_44 = tpu.vector_load_idx %arg8[%broadcast_in_dim3A_7, %get3A_40] : memref<2x10000xf32, #tpu.memory_space<vmem>>[vector<16xi32>, vector<16xi32>], vector<16xf32>,
      tpu.vector_store_idx %arg9[%broadcast_in_dim3A_7, %get3A_43], %gather3A_44 {add = true} : memref<2x10240xf32, #tpu.memory_space<vmem>>[vector<16xi32>, vector<16xi32>], vector<16xf32>,
      %get3A_45 = arith.index_cast %scan3A_38 : i32 to index
      %get3A_46 = arith.constant 16 : index
      %get3A_47 = tpu.vector_load %arg6[%get3A_45, %get3A_46] {strides = array<i32>} : memref<80x128xi32, #tpu.memory_space<vmem>>, vector<16xi32>,
      %get3A_48 = arith.index_cast %scan3A_38 : i32 to index
      %get3A_49 = arith.constant 16 : index
      %get3A_50 = tpu.vector_load %arg7[%get3A_48, %get3A_49] {strides = array<i32>} : memref<80x128xi32, #tpu.memory_space<vmem>>, vector<16xi32>,
      %gather3A_51 = tpu.vector_load_idx %arg8[%broadcast_in_dim3A_5, %get3A_47] : memref<2x10000xf32, #tpu.memory_space<vmem>>[vector<16xi32>, vector<16xi32>], vector<16xf32>,
      tpu.vector_store_idx %arg9[%broadcast_in_dim3A_5, %get3A_50], %gather3A_51 {add = true} : memref<2x10240xf32, #tpu.memory_space<vmem>>[vector<16xi32>, vector<16xi32>], vector<16xf32>,
      %gather3A_52 = tpu.vector_load_idx %arg8[%broadcast_in_dim3A_7, %get3A_47] : memref<2x10000xf32, #tpu.memory_space<vmem>>[vector<16xi32>, vector<16xi32>], vector<16xf32>,
      tpu.vector_store_idx %arg9[%broadcast_in_dim3A_7, %get3A_50], %gather3A_52 {add = true} : memref<2x10240xf32, #tpu.memory_space<vmem>>[vector<16xi32>, vector<16xi32>], vector<16xf32>,
      %get3A_53 = arith.index_cast %scan3A_38 : i32 to index
      %get3A_54 = arith.constant 32 : index
      %get3A_55 = tpu.vector_load %arg6[%get3A_53, %get3A_54] {strides = array<i32>} : memref<80x128xi32, #tpu.memory_space<vmem>>, vector<16xi32>,
      %get3A_56 = arith.index_cast %scan3A_38 : i32 to index
      %get3A_57 = arith.constant 32 : index
      %get3A_58 = tpu.vector_load %arg7[%get3A_56, %get3A_57] {strides = array<i32>} : memref<80x128xi32, #tpu.memory_space<vmem>>, vector<16xi32>,
      %gather3A_59 = tpu.vector_load_idx %arg8[%broadcast_in_dim3A_5, %get3A_55] : memref<2x10000xf32, #tpu.memory_space<vmem>>[vector<16xi32>, vector<16xi32>], vector<16xf32>,
      tpu.vector_store_idx %arg9[%broadcast_in_dim3A_5, %get3A_58], %gather3A_59 {add = true} : memref<2x10240xf32, #tpu.memory_space<vmem>>[vector<16xi32>, vector<16xi32>], vector<16xf32>,
      %gather3A_60 = tpu.vector_load_idx %arg8[%broadcast_in_dim3A_7, %get3A_55] : memref<2x10000xf32, #tpu.memory_space<vmem>>[vector<16xi32>, vector<16xi32>], vector<16xf32>,
      tpu.vector_store_idx %arg9[%broadcast_in_dim3A_7, %get3A_58], %gather3A_60 {add = true} : memref<2x10240xf32, #tpu.memory_space<vmem>>[vector<16xi32>, vector<16xi32>], vector<16xf32>,
      %get3A_61 = arith.index_cast %scan3A_38 : i32 to index
      %get3A_62 = arith.constant 48 : index
      %get3A_63 = tpu.vector_load %arg6[%get3A_61, %get3A_62] {strides = array<i32>} : memref<80x128xi32, #tpu.memory_space<vmem>>, vector<16xi32>,
      %get3A_64 = arith.index_cast %scan3A_38 : i32 to index
      %get3A_65 = arith.constant 48 : index
      %get3A_66 = tpu.vector_load %arg7[%get3A_64, %get3A_65] {strides = array<i32>} : memref<80x128xi32, #tpu.memory_space<vmem>>, vector<16xi32>,
      %gather3A_67 = tpu.vector_load_idx %arg8[%broadcast_in_dim3A_5, %get3A_63] : memref<2x10000xf32, #tpu.memory_space<vmem>>[vector<16xi32>, vector<16xi32>], vector<16xf32>,
      tpu.vector_store_idx %arg9[%broadcast_in_dim3A_5, %get3A_66], %gather3A_67 {add = true} : memref<2x10240xf32, #tpu.memory_space<vmem>>[vector<16xi32>, vector<16xi32>], vector<16xf32>,
      %gather3A_68 = tpu.vector_load_idx %arg8[%broadcast_in_dim3A_7, %get3A_63] : memref<2x10000xf32, #tpu.memory_space<vmem>>[vector<16xi32>, vector<16xi32>], vector<16xf32>,
      tpu.vector_store_idx %arg9[%broadcast_in_dim3A_7, %get3A_66], %gather3A_68 {add = true} : memref<2x10240xf32, #tpu.memory_space<vmem>>[vector<16xi32>, vector<16xi32>], vector<16xf32>,
      %get3A_69 = arith.index_cast %scan3A_38 : i32 to index
      %get3A_70 = arith.constant 64 : index
      %get3A_71 = tpu.vector_load %arg6[%get3A_69, %get3A_70] {strides = array<i32>} : memref<80x128xi32, #tpu.memory_space<vmem>>, vector<16xi32>,
      %get3A_72 = arith.index_cast %scan3A_38 : i32 to index
      %get3A_73 = arith.constant 64 : index
      %get3A_74 = tpu.vector_load %arg7[%get3A_72, %get3A_73] {strides = array<i32>} : memref<80x128xi32, #tpu.memory_space<vmem>>, vector<16xi32>,
      %gather3A_75 = tpu.vector_load_idx %arg8[%broadcast_in_dim3A_5, %get3A_71] : memref<2x10000xf32, #tpu.memory_space<vmem>>[vector<16xi32>, vector<16xi32>], vector<16xf32>,
      tpu.vector_store_idx %arg9[%broadcast_in_dim3A_5, %get3A_74], %gather3A_75 {add = true} : memref<2x10240xf32, #tpu.memory_space<vmem>>[vector<16xi32>, vector<16xi32>], vector<16xf32>,
      %gather3A_76 = tpu.vector_load_idx %arg8[%broadcast_in_dim3A_7, %get3A_71] : memref<2x10000xf32, #tpu.memory_space<vmem>>[vector<16xi32>, vector<16xi32>], vector<16xf32>,
      tpu.vector_store_idx %arg9[%broadcast_in_dim3A_7, %get3A_74], %gather3A_76 {add = true} : memref<2x10240xf32, #tpu.memory_space<vmem>>[vector<16xi32>, vector<16xi32>], vector<16xf32>,
      %get3A_77 = arith.index_cast %scan3A_38 : i32 to index
      %get3A_78 = arith.constant 80 : index
      %get3A_79 = tpu.vector_load %arg6[%get3A_77, %get3A_78] {strides = array<i32>} : memref<80x128xi32, #tpu.memory_space<vmem>>, vector<16xi32>,
      %get3A_80 = arith.index_cast %scan3A_38 : i32 to index
      %get3A_81 = arith.constant 80 : index
      %get3A_82 = tpu.vector_load %arg7[%get3A_80, %get3A_81] {strides = array<i32>} : memref<80x128xi32, #tpu.memory_space<vmem>>, vector<16xi32>,
      %gather3A_83 = tpu.vector_load_idx %arg8[%broadcast_in_dim3A_5, %get3A_79] : memref<2x10000xf32, #tpu.memory_space<vmem>>[vector<16xi32>, vector<16xi32>], vector<16xf32>,
      tpu.vector_store_idx %arg9[%broadcast_in_dim3A_5, %get3A_82], %gather3A_83 {add = true} : memref<2x10240xf32, #tpu.memory_space<vmem>>[vector<16xi32>, vector<16xi32>], vector<16xf32>,
      %gather3A_84 = tpu.vector_load_idx %arg8[%broadcast_in_dim3A_7, %get3A_79] : memref<2x10000xf32, #tpu.memory_space<vmem>>[vector<16xi32>, vector<16xi32>], vector<16xf32>,
      tpu.vector_store_idx %arg9[%broadcast_in_dim3A_7, %get3A_82], %gather3A_84 {add = true} : memref<2x10240xf32, #tpu.memory_space<vmem>>[vector<16xi32>, vector<16xi32>], vector<16xf32>,
      %get3A_85 = arith.index_cast %scan3A_38 : i32 to index
      %get3A_86 = arith.constant 96 : index
      %get3A_87 = tpu.vector_load %arg6[%get3A_85, %get3A_86] {strides = array<i32>} : memref<80x128xi32, #tpu.memory_space<vmem>>, vector<16xi32>,
      %get3A_88 = arith.index_cast %scan3A_38 : i32 to index
      %get3A_89 = arith.constant 96 : index
      %get3A_90 = tpu.vector_load %arg7[%get3A_88, %get3A_89] {strides = array<i32>} : memref<80x128xi32, #tpu.memory_space<vmem>>, vector<16xi32>,
      %gather3A_91 = tpu.vector_load_idx %arg8[%broadcast_in_dim3A_5, %get3A_87] : memref<2x10000xf32, #tpu.memory_space<vmem>>[vector<16xi32>, vector<16xi32>], vector<16xf32>,
      tpu.vector_store_idx %arg9[%broadcast_in_dim3A_5, %get3A_90], %gather3A_91 {add = true} : memref<2x10240xf32, #tpu.memory_space<vmem>>[vector<16xi32>, vector<16xi32>], vector<16xf32>,
      %gather3A_92 = tpu.vector_load_idx %arg8[%broadcast_in_dim3A_7, %get3A_87] : memref<2x10000xf32, #tpu.memory_space<vmem>>[vector<16xi32>, vector<16xi32>], vector<16xf32>,
      tpu.vector_store_idx %arg9[%broadcast_in_dim3A_7, %get3A_90], %gather3A_92 {add = true} : memref<2x10240xf32, #tpu.memory_space<vmem>>[vector<16xi32>, vector<16xi32>], vector<16xf32>,
      %get3A_93 = arith.index_cast %scan3A_38 : i32 to index
      %get3A_94 = arith.constant 112 : index
      %get3A_95 = tpu.vector_load %arg6[%get3A_93, %get3A_94] {strides = array<i32>} : memref<80x128xi32, #tpu.memory_space<vmem>>, vector<16xi32>,
      %get3A_96 = arith.index_cast %scan3A_38 : i32 to index
      %get3A_97 = arith.constant 112 : index
      %get3A_98 = tpu.vector_load %arg7[%get3A_96, %get3A_97] {strides = array<i32>} : memref<80x128xi32, #tpu.memory_space<vmem>>, vector<16xi32>,
      %gather3A_99 = tpu.vector_load_idx %arg8[%broadcast_in_dim3A_5, %get3A_95] : memref<2x10000xf32, #tpu.memory_space<vmem>>[vector<16xi32>, vector<16xi32>], vector<16xf32>,
      tpu.vector_store_idx %arg9[%broadcast_in_dim3A_5, %get3A_98], %gather3A_99 {add = true} : memref<2x10240xf32, #tpu.memory_space<vmem>>[vector<16xi32>, vector<16xi32>], vector<16xf32>,
      %gather3A_100 = tpu.vector_load_idx %arg8[%broadcast_in_dim3A_7, %get3A_95] : memref<2x10000xf32, #tpu.memory_space<vmem>>[vector<16xi32>, vector<16xi32>], vector<16xf32>,
      tpu.vector_store_idx %arg9[%broadcast_in_dim3A_7, %get3A_98], %gather3A_100 {add = true} : memref<2x10240xf32, #tpu.memory_space<vmem>>[vector<16xi32>, vector<16xi32>], vector<16xf32>,
    }
    %scan3A_33 = arith.constant 80 : i32
    %run_scoped3A_34 = arith.constant 0 : i32
    %run_scoped3A_35 = arith.constant 2 : i32
    "tpu.region"() ({
      %run_scoped3A_38 = tpu.sem_alloc : memref<!tpu.dma_semaphore, #tpu.memory_space<semaphore_mem>>
      %dma_start3A = arith.constant 0 : i32
      %dma_start3A_39 = tpu.memref_slice %arg9[%run_scoped3A_34, %dma_start3A] : memref<2x10240xf32, #tpu.memory_space<vmem>> -> memref<1x10240xf32, #tpu.memory_space<vmem>>
      %dma_start3A_40 = tpu.memref_squeeze %dma_start3A_39 : memref<1x10240xf32, #tpu.memory_space<vmem>> -> memref<10240xf32, #tpu.memory_space<vmem>>
      %dma_start3A_41 = arith.constant 0 : i32
      %dma_start3A_42 = tpu.memref_slice %arg5[%run_scoped3A_35, %add3A, %dma_start3A_41] : memref<4x32x10240xf32, #tpu.memory_space<hbm>> -> memref<1x1x10240xf32, #tpu.memory_space<hbm>>
      %dma_start3A_43 = tpu.memref_squeeze %dma_start3A_42 : memref<1x1x10240xf32, #tpu.memory_space<hbm>> -> memref<10240xf32, #tpu.memory_space<hbm>>
      %dma_start3A_44 = arith.constant 0 : i32
      %dma_start3A_45 = tpu.memref_slice %arg5[%run_scoped3A_35, %add3A, %dma_start3A_44] : memref<4x32x10240xf32, #tpu.memory_space<hbm>> -> memref<1x1x10240xf32, #tpu.memory_space<hbm>>
      %dma_start3A_46 = tpu.memref_squeeze %dma_start3A_45 : memref<1x1x10240xf32, #tpu.memory_space<hbm>> -> memref<10240xf32, #tpu.memory_space<hbm>>
      %dma_start3A_47 = arith.constant 0 : i32
      %dma_start3A_48 = tpu.memref_slice %arg9[%run_scoped3A_34, %dma_start3A_47] : memref<2x10240xf32, #tpu.memory_space<vmem>> -> memref<1x10240xf32, #tpu.memory_space<vmem>>
      %dma_start3A_49 = tpu.memref_squeeze %dma_start3A_48 : memref<1x10240xf32, #tpu.memory_space<vmem>> -> memref<10240xf32, #tpu.memory_space<vmem>>
      tpu.enqueue_dma source(%dma_start3A_49 : memref<10240xf32, #tpu.memory_space<vmem>>) target(%dma_start3A_46 : memref<10240xf32, #tpu.memory_space<hbm>>) target_semaphore(%run_scoped3A_38 : memref<!tpu.dma_semaphore, #tpu.memory_space<semaphore_mem>>)
      %dma_wait3A = arith.constant 0 : i32
      %dma_wait3A_50 = tpu.memref_slice %arg9[%run_scoped3A_34, %dma_wait3A] : memref<2x10240xf32, #tpu.memory_space<vmem>> -> memref<1x10240xf32, #tpu.memory_space<vmem>>
      %dma_wait3A_51 = tpu.memref_squeeze %dma_wait3A_50 : memref<1x10240xf32, #tpu.memory_space<vmem>> -> memref<10240xf32, #tpu.memory_space<vmem>>
      %dma_wait3A_52 = arith.constant 0 : i32
      %dma_wait3A_53 = tpu.memref_slice %arg5[%run_scoped3A_35, %add3A, %dma_wait3A_52] : memref<4x32x10240xf32, #tpu.memory_space<hbm>> -> memref<1x1x10240xf32, #tpu.memory_space<hbm>>
      %dma_wait3A_54 = tpu.memref_squeeze %dma_wait3A_53 : memref<1x1x10240xf32, #tpu.memory_space<hbm>> -> memref<10240xf32, #tpu.memory_space<hbm>>
      %dma_wait3A_55 = arith.constant 0 : i32
      %dma_wait3A_56 = tpu.memref_slice %arg5[%run_scoped3A_35, %add3A, %dma_wait3A_55] : memref<4x32x10240xf32, #tpu.memory_space<hbm>> -> memref<1x1x10240xf32, #tpu.memory_space<hbm>>
      %dma_wait3A_57 = tpu.memref_squeeze %dma_wait3A_56 : memref<1x1x10240xf32, #tpu.memory_space<hbm>> -> memref<10240xf32, #tpu.memory_space<hbm>>
      %dma_wait3A_58 = arith.constant 0 : i32
      %dma_wait3A_59 = tpu.memref_slice %arg9[%run_scoped3A_34, %dma_wait3A_58] : memref<2x10240xf32, #tpu.memory_space<vmem>> -> memref<1x10240xf32, #tpu.memory_space<vmem>>
      %dma_wait3A_60 = tpu.memref_squeeze %dma_wait3A_59 : memref<1x10240xf32, #tpu.memory_space<vmem>> -> memref<10240xf32, #tpu.memory_space<vmem>>
      tpu.wait_dma2 semaphore(%run_scoped3A_38 : memref<!tpu.dma_semaphore, #tpu.memory_space<semaphore_mem>>) src(%dma_wait3A_60 : memref<10240xf32, #tpu.memory_space<vmem>>) dst(%dma_wait3A_57 : memref<10240xf32, #tpu.memory_space<hbm>>)
      tpu.yield
    }) : () -> ()
    %run_scoped3A_36 = arith.constant 1 : i32
    %run_scoped3A_37 = arith.constant 3 : i32
    "tpu.region"() ({
      %run_scoped3A_38 = tpu.sem_alloc : memref<!tpu.dma_semaphore, #tpu.memory_space<semaphore_mem>>
      %dma_start3A = arith.constant 0 : i32
      %dma_start3A_39 = tpu.memref_slice %arg9[%run_scoped3A_36, %dma_start3A] : memref<2x10240xf32, #tpu.memory_space<vmem>> -> memref<1x10240xf32, #tpu.memory_space<vmem>>
      %dma_start3A_40 = tpu.memref_squeeze %dma_start3A_39 : memref<1x10240xf32, #tpu.memory_space<vmem>> -> memref<10240xf32, #tpu.memory_space<vmem>>
      %dma_start3A_41 = arith.constant 0 : i32
      %dma_start3A_42 = tpu.memref_slice %arg5[%run_scoped3A_37, %add3A, %dma_start3A_41] : memref<4x32x10240xf32, #tpu.memory_space<hbm>> -> memref<1x1x10240xf32, #tpu.memory_space<hbm>>
      %dma_start3A_43 = tpu.memref_squeeze %dma_start3A_42 : memref<1x1x10240xf32, #tpu.memory_space<hbm>> -> memref<10240xf32, #tpu.memory_space<hbm>>
      %dma_start3A_44 = arith.constant 0 : i32
      %dma_start3A_45 = tpu.memref_slice %arg5[%run_scoped3A_37, %add3A, %dma_start3A_44] : memref<4x32x10240xf32, #tpu.memory_space<hbm>> -> memref<1x1x10240xf32, #tpu.memory_space<hbm>>
      %dma_start3A_46 = tpu.memref_squeeze %dma_start3A_45 : memref<1x1x10240xf32, #tpu.memory_space<hbm>> -> memref<10240xf32, #tpu.memory_space<hbm>>
      %dma_start3A_47 = arith.constant 0 : i32
      %dma_start3A_48 = tpu.memref_slice %arg9[%run_scoped3A_36, %dma_start3A_47] : memref<2x10240xf32, #tpu.memory_space<vmem>> -> memref<1x10240xf32, #tpu.memory_space<vmem>>
      %dma_start3A_49 = tpu.memref_squeeze %dma_start3A_48 : memref<1x10240xf32, #tpu.memory_space<vmem>> -> memref<10240xf32, #tpu.memory_space<vmem>>
      tpu.enqueue_dma source(%dma_start3A_49 : memref<10240xf32, #tpu.memory_space<vmem>>) target(%dma_start3A_46 : memref<10240xf32, #tpu.memory_space<hbm>>) target_semaphore(%run_scoped3A_38 : memref<!tpu.dma_semaphore, #tpu.memory_space<semaphore_mem>>)
      %dma_wait3A = arith.constant 0 : i32
      %dma_wait3A_50 = tpu.memref_slice %arg9[%run_scoped3A_36, %dma_wait3A] : memref<2x10240xf32, #tpu.memory_space<vmem>> -> memref<1x10240xf32, #tpu.memory_space<vmem>>
      %dma_wait3A_51 = tpu.memref_squeeze %dma_wait3A_50 : memref<1x10240xf32, #tpu.memory_space<vmem>> -> memref<10240xf32, #tpu.memory_space<vmem>>
      %dma_wait3A_52 = arith.constant 0 : i32
      %dma_wait3A_53 = tpu.memref_slice %arg5[%run_scoped3A_37, %add3A, %dma_wait3A_52] : memref<4x32x10240xf32, #tpu.memory_space<hbm>> -> memref<1x1x10240xf32, #tpu.memory_space<hbm>>
      %dma_wait3A_54 = tpu.memref_squeeze %dma_wait3A_53 : memref<1x1x10240xf32, #tpu.memory_space<hbm>> -> memref<10240xf32, #tpu.memory_space<hbm>>
      %dma_wait3A_55 = arith.constant 0 : i32
      %dma_wait3A_56 = tpu.memref_slice %arg5[%run_scoped3A_37, %add3A, %dma_wait3A_55] : memref<4x32x10240xf32, #tpu.memory_space<hbm>> -> memref<1x1x10240xf32, #tpu.memory_space<hbm>>
      %dma_wait3A_57 = tpu.memref_squeeze %dma_wait3A_56 : memref<1x1x10240xf32, #tpu.memory_space<hbm>> -> memref<10240xf32, #tpu.memory_space<hbm>>
      %dma_wait3A_58 = arith.constant 0 : i32
      %dma_wait3A_59 = tpu.memref_slice %arg9[%run_scoped3A_36, %dma_wait3A_58] : memref<2x10240xf32, #tpu.memory_space<vmem>> -> memref<1x10240xf32, #tpu.memory_space<vmem>>
      %dma_wait3A_60 = tpu.memref_squeeze %dma_wait3A_59 : memref<1x10240xf32, #tpu.memory_space<vmem>> -> memref<10240xf32, #tpu.memory_space<vmem>>
      tpu.wait_dma2 semaphore(%run_scoped3A_38 : memref<!tpu.dma_semaphore, #tpu.memory_space<semaphore_mem>>) src(%dma_wait3A_60 : memref<10240xf32, #tpu.memory_space<vmem>>) dst(%dma_wait3A_57 : memref<10240xf32, #tpu.memory_space<hbm>>)
      tpu.yield
    }) : () -> ()
    return
  }
}

#map = affine_map<(d0, d1) -> (0, 0)>
#map1 = affine_map<(d0, d1) -> (0, 0, 0)>
module attributes {stable_mosaic.version = 14 : i64} {
  func.func @body(%arg0: i32, %arg1: i32, %arg2: memref<10000x128xf32, #tpu.memory_space<hbm>>, %arg3: memref<2560x128xi32, #tpu.memory_space<hbm>>, %arg4: memref<2560x128xi32, #tpu.memory_space<hbm>>, %arg5: memref<2x10240x128xf32, #tpu.memory_space<hbm>>, %arg6: memref<2x128xi32, #tpu.memory_space<vmem>>, %arg7: memref<80x128xi32, #tpu.memory_space<vmem>>, %arg8: memref<2x128x128xf32, #tpu.memory_space<vmem>>, %arg9: memref<10240x128xf32, #tpu.memory_space<vmem_shared>>, %arg10: memref<!tpu.dma_semaphore, #tpu.memory_space<semaphore_mem>>, %arg11: memref<!tpu.dma_semaphore, #tpu.memory_space<semaphore_mem>>, %arg12: memref<!tpu.dma_semaphore, #tpu.memory_space<semaphore_mem>>) attributes {dimension_semantics = [#tpu.dimension_semantics<core_parallel>, #tpu.dimension_semantics<subcore_parallel>], iteration_bounds = array<i64: 2, 16>, scalar_prefetch = 0 : i64, scratch_operands = 7 : i64, tpu.core_type = #tpu.core_type<sc_vector_subcore>, window_params = [{transform_indices = #map}, {transform_indices = #map}, {transform_indices = #map}, {transform_indices = #map1}]} {
    %mul3A = arith.constant 16 : i32
    %mul3A_0 = arith.muli %arg0, %mul3A : i32
    %add3A = arith.addi %mul3A_0, %arg1 : i32
    %mul3A_1 = arith.constant 80 : i32
    %mul3A_2 = arith.muli %add3A, %mul3A_1 : i32
    "tpu.region"() ({
      %run_scoped3A_81 = tpu.sem_alloc : memref<!tpu.dma_semaphore, #tpu.memory_space<semaphore_mem>>
      %dma_start3A_82 = arith.constant 0 : i32
      %dma_start3A_83 = tpu.memref_slice %arg4[%mul3A_2, %dma_start3A_82] : memref<2560x128xi32, #tpu.memory_space<hbm>> -> memref<80x128xi32, #tpu.memory_space<hbm>>
      %dma_start3A_84 = arith.constant 0 : i32
      %dma_start3A_85 = tpu.memref_slice %arg4[%mul3A_2, %dma_start3A_84] : memref<2560x128xi32, #tpu.memory_space<hbm>> -> memref<80x128xi32, #tpu.memory_space<hbm>>
      tpu.enqueue_dma source(%dma_start3A_85 : memref<80x128xi32, #tpu.memory_space<hbm>>) target(%arg7 : memref<80x128xi32, #tpu.memory_space<vmem>>) target_semaphore(%run_scoped3A_81 : memref<!tpu.dma_semaphore, #tpu.memory_space<semaphore_mem>>)
      %dma_wait3A_86 = arith.constant 0 : i32
      %dma_wait3A_87 = tpu.memref_slice %arg4[%mul3A_2, %dma_wait3A_86] : memref<2560x128xi32, #tpu.memory_space<hbm>> -> memref<80x128xi32, #tpu.memory_space<hbm>>
      %dma_wait3A_88 = arith.constant 0 : i32
      %dma_wait3A_89 = tpu.memref_slice %arg4[%mul3A_2, %dma_wait3A_88] : memref<2560x128xi32, #tpu.memory_space<hbm>> -> memref<80x128xi32, #tpu.memory_space<hbm>>
      tpu.wait_dma2 semaphore(%run_scoped3A_81 : memref<!tpu.dma_semaphore, #tpu.memory_space<semaphore_mem>>) src(%dma_wait3A_89 : memref<80x128xi32, #tpu.memory_space<hbm>>) dst(%arg7 : memref<80x128xi32, #tpu.memory_space<vmem>>)
      tpu.yield
    }) : () -> ()
    %broadcast_in_dim3A = arith.constant 0.000000e+00 : f32
    %broadcast_in_dim3A_3 = vector.broadcast %broadcast_in_dim3A : f32 to vector<16xf32>
    %scan3A = arith.constant 0 : i32
    %scan3A_4 = arith.constant 0 : i32
    %scan3A_5 = arith.constant 0 : i32
    %scan3A_6 = arith.constant 128 : i32
    %scan3A_7 = arith.addi %scan3A_5, %scan3A_6 : i32
    %scan3A_8 = arith.constant 1 : i32
    scf.for %scan3A_81 = %scan3A_5 to %scan3A_7 step %scan3A_8  : i32 {
      %swap3A = arith.constant 0 : i32
      %swap3A_82 = arith.constant 0 : i32
      %swap3A_83 = tpu.memref_slice %arg8[%scan3A_4, %swap3A, %swap3A_82] : memref<2x128x128xf32, #tpu.memory_space<vmem>> -> memref<1x128x128xf32, #tpu.memory_space<vmem>>
      %swap3A_84 = tpu.memref_squeeze %swap3A_83 : memref<1x128x128xf32, #tpu.memory_space<vmem>> -> memref<128x128xf32, #tpu.memory_space<vmem>>
      %swap3A_85 = arith.index_cast %scan3A_81 : i32 to index
      %swap3A_86 = arith.constant 0 : index
      %swap3A_87 = tpu.vector_load %swap3A_84[%swap3A_85, %swap3A_86] {strides = array<i32>} : memref<128x128xf32, #tpu.memory_space<vmem>>, vector<1x16xf32>,
      %swap3A_88 = vector.shape_cast %swap3A_87 : vector<1x16xf32> to vector<16xf32>
      %swap3A_89 = vector.shape_cast %broadcast_in_dim3A_3 : vector<16xf32> to vector<1x16xf32>
      tpu.vector_store %swap3A_84[%swap3A_85, %swap3A_86], %swap3A_89 {strides = array<i32>} : memref<128x128xf32, #tpu.memory_space<vmem>>, vector<1x16xf32>,
      %swap3A_90 = arith.constant 0 : i32
      %swap3A_91 = arith.constant 0 : i32
      %swap3A_92 = tpu.memref_slice %arg8[%scan3A_4, %swap3A_90, %swap3A_91] : memref<2x128x128xf32, #tpu.memory_space<vmem>> -> memref<1x128x128xf32, #tpu.memory_space<vmem>>
      %swap3A_93 = tpu.memref_squeeze %swap3A_92 : memref<1x128x128xf32, #tpu.memory_space<vmem>> -> memref<128x128xf32, #tpu.memory_space<vmem>>
      %swap3A_94 = arith.index_cast %scan3A_81 : i32 to index
      %swap3A_95 = arith.constant 16 : index
      %swap3A_96 = tpu.vector_load %swap3A_93[%swap3A_94, %swap3A_95] {strides = array<i32>} : memref<128x128xf32, #tpu.memory_space<vmem>>, vector<1x16xf32>,
      %swap3A_97 = vector.shape_cast %swap3A_96 : vector<1x16xf32> to vector<16xf32>
      %swap3A_98 = vector.shape_cast %broadcast_in_dim3A_3 : vector<16xf32> to vector<1x16xf32>
      tpu.vector_store %swap3A_93[%swap3A_94, %swap3A_95], %swap3A_98 {strides = array<i32>} : memref<128x128xf32, #tpu.memory_space<vmem>>, vector<1x16xf32>,
      %swap3A_99 = arith.constant 0 : i32
      %swap3A_100 = arith.constant 0 : i32
      %swap3A_101 = tpu.memref_slice %arg8[%scan3A_4, %swap3A_99, %swap3A_100] : memref<2x128x128xf32, #tpu.memory_space<vmem>> -> memref<1x128x128xf32, #tpu.memory_space<vmem>>
      %swap3A_102 = tpu.memref_squeeze %swap3A_101 : memref<1x128x128xf32, #tpu.memory_space<vmem>> -> memref<128x128xf32, #tpu.memory_space<vmem>>
      %swap3A_103 = arith.index_cast %scan3A_81 : i32 to index
      %swap3A_104 = arith.constant 32 : index
      %swap3A_105 = tpu.vector_load %swap3A_102[%swap3A_103, %swap3A_104] {strides = array<i32>} : memref<128x128xf32, #tpu.memory_space<vmem>>, vector<1x16xf32>,
      %swap3A_106 = vector.shape_cast %swap3A_105 : vector<1x16xf32> to vector<16xf32>
      %swap3A_107 = vector.shape_cast %broadcast_in_dim3A_3 : vector<16xf32> to vector<1x16xf32>
      tpu.vector_store %swap3A_102[%swap3A_103, %swap3A_104], %swap3A_107 {strides = array<i32>} : memref<128x128xf32, #tpu.memory_space<vmem>>, vector<1x16xf32>,
      %swap3A_108 = arith.constant 0 : i32
      %swap3A_109 = arith.constant 0 : i32
      %swap3A_110 = tpu.memref_slice %arg8[%scan3A_4, %swap3A_108, %swap3A_109] : memref<2x128x128xf32, #tpu.memory_space<vmem>> -> memref<1x128x128xf32, #tpu.memory_space<vmem>>
      %swap3A_111 = tpu.memref_squeeze %swap3A_110 : memref<1x128x128xf32, #tpu.memory_space<vmem>> -> memref<128x128xf32, #tpu.memory_space<vmem>>
      %swap3A_112 = arith.index_cast %scan3A_81 : i32 to index
      %swap3A_113 = arith.constant 48 : index
      %swap3A_114 = tpu.vector_load %swap3A_111[%swap3A_112, %swap3A_113] {strides = array<i32>} : memref<128x128xf32, #tpu.memory_space<vmem>>, vector<1x16xf32>,
      %swap3A_115 = vector.shape_cast %swap3A_114 : vector<1x16xf32> to vector<16xf32>
      %swap3A_116 = vector.shape_cast %broadcast_in_dim3A_3 : vector<16xf32> to vector<1x16xf32>
      tpu.vector_store %swap3A_111[%swap3A_112, %swap3A_113], %swap3A_116 {strides = array<i32>} : memref<128x128xf32, #tpu.memory_space<vmem>>, vector<1x16xf32>,
      %swap3A_117 = arith.constant 0 : i32
      %swap3A_118 = arith.constant 0 : i32
      %swap3A_119 = tpu.memref_slice %arg8[%scan3A_4, %swap3A_117, %swap3A_118] : memref<2x128x128xf32, #tpu.memory_space<vmem>> -> memref<1x128x128xf32, #tpu.memory_space<vmem>>
      %swap3A_120 = tpu.memref_squeeze %swap3A_119 : memref<1x128x128xf32, #tpu.memory_space<vmem>> -> memref<128x128xf32, #tpu.memory_space<vmem>>
      %swap3A_121 = arith.index_cast %scan3A_81 : i32 to index
      %swap3A_122 = arith.constant 64 : index
      %swap3A_123 = tpu.vector_load %swap3A_120[%swap3A_121, %swap3A_122] {strides = array<i32>} : memref<128x128xf32, #tpu.memory_space<vmem>>, vector<1x16xf32>,
      %swap3A_124 = vector.shape_cast %swap3A_123 : vector<1x16xf32> to vector<16xf32>
      %swap3A_125 = vector.shape_cast %broadcast_in_dim3A_3 : vector<16xf32> to vector<1x16xf32>
      tpu.vector_store %swap3A_120[%swap3A_121, %swap3A_122], %swap3A_125 {strides = array<i32>} : memref<128x128xf32, #tpu.memory_space<vmem>>, vector<1x16xf32>,
      %swap3A_126 = arith.constant 0 : i32
      %swap3A_127 = arith.constant 0 : i32
      %swap3A_128 = tpu.memref_slice %arg8[%scan3A_4, %swap3A_126, %swap3A_127] : memref<2x128x128xf32, #tpu.memory_space<vmem>> -> memref<1x128x128xf32, #tpu.memory_space<vmem>>
      %swap3A_129 = tpu.memref_squeeze %swap3A_128 : memref<1x128x128xf32, #tpu.memory_space<vmem>> -> memref<128x128xf32, #tpu.memory_space<vmem>>
      %swap3A_130 = arith.index_cast %scan3A_81 : i32 to index
      %swap3A_131 = arith.constant 80 : index
      %swap3A_132 = tpu.vector_load %swap3A_129[%swap3A_130, %swap3A_131] {strides = array<i32>} : memref<128x128xf32, #tpu.memory_space<vmem>>, vector<1x16xf32>,
      %swap3A_133 = vector.shape_cast %swap3A_132 : vector<1x16xf32> to vector<16xf32>
      %swap3A_134 = vector.shape_cast %broadcast_in_dim3A_3 : vector<16xf32> to vector<1x16xf32>
      tpu.vector_store %swap3A_129[%swap3A_130, %swap3A_131], %swap3A_134 {strides = array<i32>} : memref<128x128xf32, #tpu.memory_space<vmem>>, vector<1x16xf32>,
      %swap3A_135 = arith.constant 0 : i32
      %swap3A_136 = arith.constant 0 : i32
      %swap3A_137 = tpu.memref_slice %arg8[%scan3A_4, %swap3A_135, %swap3A_136] : memref<2x128x128xf32, #tpu.memory_space<vmem>> -> memref<1x128x128xf32, #tpu.memory_space<vmem>>
      %swap3A_138 = tpu.memref_squeeze %swap3A_137 : memref<1x128x128xf32, #tpu.memory_space<vmem>> -> memref<128x128xf32, #tpu.memory_space<vmem>>
      %swap3A_139 = arith.index_cast %scan3A_81 : i32 to index
      %swap3A_140 = arith.constant 96 : index
      %swap3A_141 = tpu.vector_load %swap3A_138[%swap3A_139, %swap3A_140] {strides = array<i32>} : memref<128x128xf32, #tpu.memory_space<vmem>>, vector<1x16xf32>,
      %swap3A_142 = vector.shape_cast %swap3A_141 : vector<1x16xf32> to vector<16xf32>
      %swap3A_143 = vector.shape_cast %broadcast_in_dim3A_3 : vector<16xf32> to vector<1x16xf32>
      tpu.vector_store %swap3A_138[%swap3A_139, %swap3A_140], %swap3A_143 {strides = array<i32>} : memref<128x128xf32, #tpu.memory_space<vmem>>, vector<1x16xf32>,
      %swap3A_144 = arith.constant 0 : i32
      %swap3A_145 = arith.constant 0 : i32
      %swap3A_146 = tpu.memref_slice %arg8[%scan3A_4, %swap3A_144, %swap3A_145] : memref<2x128x128xf32, #tpu.memory_space<vmem>> -> memref<1x128x128xf32, #tpu.memory_space<vmem>>
      %swap3A_147 = tpu.memref_squeeze %swap3A_146 : memref<1x128x128xf32, #tpu.memory_space<vmem>> -> memref<128x128xf32, #tpu.memory_space<vmem>>
      %swap3A_148 = arith.index_cast %scan3A_81 : i32 to index
      %swap3A_149 = arith.constant 112 : index
      %swap3A_150 = tpu.vector_load %swap3A_147[%swap3A_148, %swap3A_149] {strides = array<i32>} : memref<128x128xf32, #tpu.memory_space<vmem>>, vector<1x16xf32>,
      %swap3A_151 = vector.shape_cast %swap3A_150 : vector<1x16xf32> to vector<16xf32>
      %swap3A_152 = vector.shape_cast %broadcast_in_dim3A_3 : vector<16xf32> to vector<1x16xf32>
      tpu.vector_store %swap3A_147[%swap3A_148, %swap3A_149], %swap3A_152 {strides = array<i32>} : memref<128x128xf32, #tpu.memory_space<vmem>>, vector<1x16xf32>,
    }
    %scan3A_9 = arith.constant 128 : i32
    %scan3A_10 = arith.constant 0 : i32
    %scan3A_11 = arith.constant 0 : i32
    %scan3A_12 = arith.constant 5 : i32
    %scan3A_13 = arith.addi %scan3A_11, %scan3A_12 : i32
    %scan3A_14 = arith.constant 1 : i32
    scf.for %scan3A_81 = %scan3A_11 to %scan3A_13 step %scan3A_14  : i32 {
      %mul3A_82 = arith.constant 640 : i32
      %mul3A_83 = arith.muli %arg1, %mul3A_82 : i32
      %mul3A_84 = arith.constant 128 : i32
      %mul3A_85 = arith.muli %scan3A_81, %mul3A_84 : i32
      %add3A_86 = arith.addi %mul3A_83, %mul3A_85 : i32
      %run_scoped3A_87 = arith.constant 0 : i32
      "tpu.region"() ({
        %run_scoped3A_88 = tpu.sem_alloc : memref<!tpu.dma_semaphore, #tpu.memory_space<semaphore_mem>>
        %dma_start3A_89 = arith.constant 0 : i32
        %dma_start3A_90 = arith.constant 0 : i32
        %dma_start3A_91 = tpu.memref_slice %arg8[%run_scoped3A_87, %dma_start3A_89, %dma_start3A_90] : memref<2x128x128xf32, #tpu.memory_space<vmem>> -> memref<1x128x128xf32, #tpu.memory_space<vmem>>
        %dma_start3A_92 = tpu.memref_squeeze %dma_start3A_91 : memref<1x128x128xf32, #tpu.memory_space<vmem>> -> memref<128x128xf32, #tpu.memory_space<vmem>>
        %dma_start3A_93 = arith.constant 0 : i32
        %dma_start3A_94 = tpu.memref_slice %arg9[%add3A_86, %dma_start3A_93] : memref<10240x128xf32, #tpu.memory_space<vmem_shared>> -> memref<128x128xf32, #tpu.memory_space<vmem_shared>>
        %dma_start3A_95 = arith.constant 0 : i32
        %dma_start3A_96 = tpu.memref_slice %arg9[%add3A_86, %dma_start3A_95] : memref<10240x128xf32, #tpu.memory_space<vmem_shared>> -> memref<128x128xf32, #tpu.memory_space<vmem_shared>>
        %dma_start3A_97 = arith.constant 0 : i32
        %dma_start3A_98 = arith.constant 0 : i32
        %dma_start3A_99 = tpu.memref_slice %arg8[%run_scoped3A_87, %dma_start3A_97, %dma_start3A_98] : memref<2x128x128xf32, #tpu.memory_space<vmem>> -> memref<1x128x128xf32, #tpu.memory_space<vmem>>
        %dma_start3A_100 = tpu.memref_squeeze %dma_start3A_99 : memref<1x128x128xf32, #tpu.memory_space<vmem>> -> memref<128x128xf32, #tpu.memory_space<vmem>>
        tpu.enqueue_dma source(%dma_start3A_100 : memref<128x128xf32, #tpu.memory_space<vmem>>) target(%dma_start3A_96 : memref<128x128xf32, #tpu.memory_space<vmem_shared>>) target_semaphore(%run_scoped3A_88 : memref<!tpu.dma_semaphore, #tpu.memory_space<semaphore_mem>>)
        %dma_wait3A_101 = arith.constant 0 : i32
        %dma_wait3A_102 = arith.constant 0 : i32
        %dma_wait3A_103 = tpu.memref_slice %arg8[%run_scoped3A_87, %dma_wait3A_101, %dma_wait3A_102] : memref<2x128x128xf32, #tpu.memory_space<vmem>> -> memref<1x128x128xf32, #tpu.memory_space<vmem>>
        %dma_wait3A_104 = tpu.memref_squeeze %dma_wait3A_103 : memref<1x128x128xf32, #tpu.memory_space<vmem>> -> memref<128x128xf32, #tpu.memory_space<vmem>>
        %dma_wait3A_105 = arith.constant 0 : i32
        %dma_wait3A_106 = tpu.memref_slice %arg9[%add3A_86, %dma_wait3A_105] : memref<10240x128xf32, #tpu.memory_space<vmem_shared>> -> memref<128x128xf32, #tpu.memory_space<vmem_shared>>
        %dma_wait3A_107 = arith.constant 0 : i32
        %dma_wait3A_108 = tpu.memref_slice %arg9[%add3A_86, %dma_wait3A_107] : memref<10240x128xf32, #tpu.memory_space<vmem_shared>> -> memref<128x128xf32, #tpu.memory_space<vmem_shared>>
        %dma_wait3A_109 = arith.constant 0 : i32
        %dma_wait3A_110 = arith.constant 0 : i32
        %dma_wait3A_111 = tpu.memref_slice %arg8[%run_scoped3A_87, %dma_wait3A_109, %dma_wait3A_110] : memref<2x128x128xf32, #tpu.memory_space<vmem>> -> memref<1x128x128xf32, #tpu.memory_space<vmem>>
        %dma_wait3A_112 = tpu.memref_squeeze %dma_wait3A_111 : memref<1x128x128xf32, #tpu.memory_space<vmem>> -> memref<128x128xf32, #tpu.memory_space<vmem>>
        tpu.wait_dma2 semaphore(%run_scoped3A_88 : memref<!tpu.dma_semaphore, #tpu.memory_space<semaphore_mem>>) src(%dma_wait3A_112 : memref<128x128xf32, #tpu.memory_space<vmem>>) dst(%dma_wait3A_108 : memref<128x128xf32, #tpu.memory_space<vmem_shared>>)
        tpu.yield
      }) : () -> ()
    }
    %scan3A_15 = arith.constant 5 : i32
    %barrier3A = arith.constant 0 : index
    tpu.barrier barrier_id(%barrier3A)
    %run_scoped3A = arith.constant 0 : i32
    "tpu.region"() ({
      %run_scoped3A_81 = tpu.sem_alloc : memref<!tpu.dma_semaphore, #tpu.memory_space<semaphore_mem>>
      %dma_start3A_82 = arith.constant 0 : i32
      %dma_start3A_83 = tpu.memref_slice %arg6[%run_scoped3A, %dma_start3A_82] : memref<2x128xi32, #tpu.memory_space<vmem>> -> memref<1x128xi32, #tpu.memory_space<vmem>>
      %dma_start3A_84 = tpu.memref_squeeze %dma_start3A_83 : memref<1x128xi32, #tpu.memory_space<vmem>> -> memref<128xi32, #tpu.memory_space<vmem>>
      %dma_start3A_85 = arith.constant 0 : i32
      %dma_start3A_86 = tpu.memref_slice %arg3[%mul3A_2, %dma_start3A_85] : memref<2560x128xi32, #tpu.memory_space<hbm>> -> memref<1x128xi32, #tpu.memory_space<hbm>>
      %dma_start3A_87 = tpu.memref_squeeze %dma_start3A_86 : memref<1x128xi32, #tpu.memory_space<hbm>> -> memref<128xi32, #tpu.memory_space<hbm>>
      %dma_start3A_88 = arith.constant 0 : i32
      %dma_start3A_89 = tpu.memref_slice %arg6[%run_scoped3A, %dma_start3A_88] : memref<2x128xi32, #tpu.memory_space<vmem>> -> memref<1x128xi32, #tpu.memory_space<vmem>>
      %dma_start3A_90 = tpu.memref_squeeze %dma_start3A_89 : memref<1x128xi32, #tpu.memory_space<vmem>> -> memref<128xi32, #tpu.memory_space<vmem>>
      %dma_start3A_91 = arith.constant 0 : i32
      %dma_start3A_92 = tpu.memref_slice %arg3[%mul3A_2, %dma_start3A_91] : memref<2560x128xi32, #tpu.memory_space<hbm>> -> memref<1x128xi32, #tpu.memory_space<hbm>>
      %dma_start3A_93 = tpu.memref_squeeze %dma_start3A_92 : memref<1x128xi32, #tpu.memory_space<hbm>> -> memref<128xi32, #tpu.memory_space<hbm>>
      tpu.enqueue_dma source(%dma_start3A_93 : memref<128xi32, #tpu.memory_space<hbm>>) target(%dma_start3A_90 : memref<128xi32, #tpu.memory_space<vmem>>) target_semaphore(%run_scoped3A_81 : memref<!tpu.dma_semaphore, #tpu.memory_space<semaphore_mem>>)
      %dma_wait3A_94 = arith.constant 0 : i32
      %dma_wait3A_95 = tpu.memref_slice %arg6[%run_scoped3A, %dma_wait3A_94] : memref<2x128xi32, #tpu.memory_space<vmem>> -> memref<1x128xi32, #tpu.memory_space<vmem>>
      %dma_wait3A_96 = tpu.memref_squeeze %dma_wait3A_95 : memref<1x128xi32, #tpu.memory_space<vmem>> -> memref<128xi32, #tpu.memory_space<vmem>>
      %dma_wait3A_97 = arith.constant 0 : i32
      %dma_wait3A_98 = tpu.memref_slice %arg3[%mul3A_2, %dma_wait3A_97] : memref<2560x128xi32, #tpu.memory_space<hbm>> -> memref<1x128xi32, #tpu.memory_space<hbm>>
      %dma_wait3A_99 = tpu.memref_squeeze %dma_wait3A_98 : memref<1x128xi32, #tpu.memory_space<hbm>> -> memref<128xi32, #tpu.memory_space<hbm>>
      %dma_wait3A_100 = arith.constant 0 : i32
      %dma_wait3A_101 = tpu.memref_slice %arg6[%run_scoped3A, %dma_wait3A_100] : memref<2x128xi32, #tpu.memory_space<vmem>> -> memref<1x128xi32, #tpu.memory_space<vmem>>
      %dma_wait3A_102 = tpu.memref_squeeze %dma_wait3A_101 : memref<1x128xi32, #tpu.memory_space<vmem>> -> memref<128xi32, #tpu.memory_space<vmem>>
      %dma_wait3A_103 = arith.constant 0 : i32
      %dma_wait3A_104 = tpu.memref_slice %arg3[%mul3A_2, %dma_wait3A_103] : memref<2560x128xi32, #tpu.memory_space<hbm>> -> memref<1x128xi32, #tpu.memory_space<hbm>>
      %dma_wait3A_105 = tpu.memref_squeeze %dma_wait3A_104 : memref<1x128xi32, #tpu.memory_space<hbm>> -> memref<128xi32, #tpu.memory_space<hbm>>
      tpu.wait_dma2 semaphore(%run_scoped3A_81 : memref<!tpu.dma_semaphore, #tpu.memory_space<semaphore_mem>>) src(%dma_wait3A_105 : memref<128xi32, #tpu.memory_space<hbm>>) dst(%dma_wait3A_102 : memref<128xi32, #tpu.memory_space<vmem>>)
      tpu.yield
    }) : () -> ()
    %dma_start3A = arith.constant 0 : i32
    %dma_start3A_16 = arith.constant 0 : i32
    %dma_start3A_17 = arith.constant 0 : i32
    %dma_start3A_18 = arith.constant 0 : i32
    %dma_start3A_19 = tpu.memref_slice %arg8[%dma_start3A_16, %dma_start3A_17, %dma_start3A_18] : memref<2x128x128xf32, #tpu.memory_space<vmem>> -> memref<1x64x128xf32, #tpu.memory_space<vmem>>
    %dma_start3A_20 = tpu.memref_squeeze %dma_start3A_19 : memref<1x64x128xf32, #tpu.memory_space<vmem>> -> memref<64x128xf32, #tpu.memory_space<vmem>>
    %dma_start3A_21 = arith.constant 0 : i32
    %dma_start3A_22 = tpu.memref_slice %arg6[%dma_start3A, %dma_start3A_21] : memref<2x128xi32, #tpu.memory_space<vmem>> -> memref<1x64xi32, #tpu.memory_space<vmem>>
    %dma_start3A_23 = tpu.memref_squeeze %dma_start3A_22 : memref<1x64xi32, #tpu.memory_space<vmem>> -> memref<64xi32, #tpu.memory_space<vmem>>
    %dma_start3A_24 = arith.constant 0 : i32
    %dma_start3A_25 = arith.constant 0 : i32
    %dma_start3A_26 = tpu.memref_slice %arg2[%dma_start3A_24, %dma_start3A_25] : memref<10000x128xf32, #tpu.memory_space<hbm>> -> memref<10000x128xf32, #tpu.memory_space<hbm>>
    tpu.enqueue_indirect_dma source(%dma_start3A_26 : memref<10000x128xf32, #tpu.memory_space<hbm>>) target(%dma_start3A_20 : memref<64x128xf32, #tpu.memory_space<vmem>>) offsets(%dma_start3A_23 : memref<64xi32, #tpu.memory_space<vmem>>) semaphore(%arg10 : memref<!tpu.dma_semaphore, #tpu.memory_space<semaphore_mem>>)
    %dma_start3A_27 = arith.constant 0 : i32
    %dma_start3A_28 = arith.constant 0 : i32
    %dma_start3A_29 = arith.constant 64 : i32
    %dma_start3A_30 = arith.constant 0 : i32
    %dma_start3A_31 = tpu.memref_slice %arg8[%dma_start3A_28, %dma_start3A_29, %dma_start3A_30] : memref<2x128x128xf32, #tpu.memory_space<vmem>> -> memref<1x64x128xf32, #tpu.memory_space<vmem>>
    %dma_start3A_32 = tpu.memref_squeeze %dma_start3A_31 : memref<1x64x128xf32, #tpu.memory_space<vmem>> -> memref<64x128xf32, #tpu.memory_space<vmem>>
    %dma_start3A_33 = arith.constant 64 : i32
    %dma_start3A_34 = tpu.memref_slice %arg6[%dma_start3A_27, %dma_start3A_33] : memref<2x128xi32, #tpu.memory_space<vmem>> -> memref<1x64xi32, #tpu.memory_space<vmem>>
    %dma_start3A_35 = tpu.memref_squeeze %dma_start3A_34 : memref<1x64xi32, #tpu.memory_space<vmem>> -> memref<64xi32, #tpu.memory_space<vmem>>
    %dma_start3A_36 = arith.constant 0 : i32
    %dma_start3A_37 = arith.constant 0 : i32
    %dma_start3A_38 = tpu.memref_slice %arg2[%dma_start3A_36, %dma_start3A_37] : memref<10000x128xf32, #tpu.memory_space<hbm>> -> memref<10000x128xf32, #tpu.memory_space<hbm>>
    tpu.enqueue_indirect_dma source(%dma_start3A_38 : memref<10000x128xf32, #tpu.memory_space<hbm>>) target(%dma_start3A_32 : memref<64x128xf32, #tpu.memory_space<vmem>>) offsets(%dma_start3A_35 : memref<64xi32, #tpu.memory_space<vmem>>) semaphore(%arg10 : memref<!tpu.dma_semaphore, #tpu.memory_space<semaphore_mem>>)
    %add3A_39 = arith.constant 1 : i32
    %add3A_40 = arith.addi %mul3A_2, %add3A_39 : i32
    %dma_start3A_41 = arith.constant 1 : i32
    %dma_start3A_42 = arith.constant 0 : i32
    %dma_start3A_43 = tpu.memref_slice %arg6[%dma_start3A_41, %dma_start3A_42] : memref<2x128xi32, #tpu.memory_space<vmem>> -> memref<1x128xi32, #tpu.memory_space<vmem>>
    %dma_start3A_44 = tpu.memref_squeeze %dma_start3A_43 : memref<1x128xi32, #tpu.memory_space<vmem>> -> memref<128xi32, #tpu.memory_space<vmem>>
    %dma_start3A_45 = arith.constant 0 : i32
    %dma_start3A_46 = tpu.memref_slice %arg3[%add3A_40, %dma_start3A_45] : memref<2560x128xi32, #tpu.memory_space<hbm>> -> memref<1x128xi32, #tpu.memory_space<hbm>>
    %dma_start3A_47 = tpu.memref_squeeze %dma_start3A_46 : memref<1x128xi32, #tpu.memory_space<hbm>> -> memref<128xi32, #tpu.memory_space<hbm>>
    %dma_start3A_48 = arith.constant 0 : i32
    %dma_start3A_49 = tpu.memref_slice %arg6[%dma_start3A_41, %dma_start3A_48] : memref<2x128xi32, #tpu.memory_space<vmem>> -> memref<1x128xi32, #tpu.memory_space<vmem>>
    %dma_start3A_50 = tpu.memref_squeeze %dma_start3A_49 : memref<1x128xi32, #tpu.memory_space<vmem>> -> memref<128xi32, #tpu.memory_space<vmem>>
    %dma_start3A_51 = arith.constant 0 : i32
    %dma_start3A_52 = tpu.memref_slice %arg3[%add3A_40, %dma_start3A_51] : memref<2560x128xi32, #tpu.memory_space<hbm>> -> memref<1x128xi32, #tpu.memory_space<hbm>>
    %dma_start3A_53 = tpu.memref_squeeze %dma_start3A_52 : memref<1x128xi32, #tpu.memory_space<hbm>> -> memref<128xi32, #tpu.memory_space<hbm>>
    tpu.enqueue_dma source(%dma_start3A_53 : memref<128xi32, #tpu.memory_space<hbm>>) target(%dma_start3A_50 : memref<128xi32, #tpu.memory_space<vmem>>) target_semaphore(%arg11 : memref<!tpu.dma_semaphore, #tpu.memory_space<semaphore_mem>>)
    %scan3A_54 = arith.constant 0 : i32
    %scan3A_55 = arith.constant 0 : i32
    %scan3A_56 = arith.constant 80 : i32
    %scan3A_57 = arith.addi %scan3A_55, %scan3A_56 : i32
    %scan3A_58 = arith.constant 1 : i32
    scf.for %scan3A_81 = %scan3A_55 to %scan3A_57 step %scan3A_58  : i32 {
      %jit3A = arith.constant 2 : i32
      %eq3A = arith.constant 0 : i32
      %eq3A_82 = arith.cmpi eq, %jit3A, %eq3A : i32
      %jit3A_83 = arith.constant 1 : i32
      %select_n3A = arith.select %eq3A_82, %jit3A_83, %jit3A : i32
      %rem3A = arith.remsi %scan3A_81, %select_n3A : i32
      %ne3A = arith.constant 0 : i32
      %ne3A_84 = arith.cmpi ne, %rem3A, %ne3A : i32
      %lt3A = arith.constant 0 : i32
      %lt3A_85 = arith.cmpi slt, %rem3A, %lt3A : i32
      %lt3A_86 = arith.constant 0 : i32
      %lt3A_87 = arith.cmpi slt, %select_n3A, %lt3A_86 : i32
      %ne3A_88 = arith.xori %lt3A_85, %lt3A_87 : i1
      %and3A = arith.andi %ne3A_88, %ne3A_84 : i1
      %add3A_89 = arith.addi %rem3A, %select_n3A : i32
      %select_n3A_90 = arith.select %and3A, %add3A_89, %rem3A : i32
      %add3A_91 = arith.constant 1 : i32
      %add3A_92 = arith.addi %scan3A_81, %add3A_91 : i32
      %jit3A_93 = arith.constant 2 : i32
      %eq3A_94 = arith.constant 0 : i32
      %eq3A_95 = arith.cmpi eq, %jit3A_93, %eq3A_94 : i32
      %jit3A_96 = arith.constant 1 : i32
      %select_n3A_97 = arith.select %eq3A_95, %jit3A_96, %jit3A_93 : i32
      %rem3A_98 = arith.remsi %add3A_92, %select_n3A_97 : i32
      %ne3A_99 = arith.constant 0 : i32
      %ne3A_100 = arith.cmpi ne, %rem3A_98, %ne3A_99 : i32
      %lt3A_101 = arith.constant 0 : i32
      %lt3A_102 = arith.cmpi slt, %rem3A_98, %lt3A_101 : i32
      %lt3A_103 = arith.constant 0 : i32
      %lt3A_104 = arith.cmpi slt, %select_n3A_97, %lt3A_103 : i32
      %ne3A_105 = arith.xori %lt3A_102, %lt3A_104 : i1
      %and3A_106 = arith.andi %ne3A_105, %ne3A_100 : i1
      %add3A_107 = arith.addi %rem3A_98, %select_n3A_97 : i32
      %select_n3A_108 = arith.select %and3A_106, %add3A_107, %rem3A_98 : i32
      %jit3A_109 = arith.constant 2 : i32
      %eq3A_110 = arith.constant 0 : i32
      %eq3A_111 = arith.cmpi eq, %jit3A_109, %eq3A_110 : i32
      %jit3A_112 = arith.constant 1 : i32
      %select_n3A_113 = arith.select %eq3A_111, %jit3A_112, %jit3A_109 : i32
      %rem3A_114 = arith.remsi %scan3A_81, %select_n3A_113 : i32
      %ne3A_115 = arith.constant 0 : i32
      %ne3A_116 = arith.cmpi ne, %rem3A_114, %ne3A_115 : i32
      %lt3A_117 = arith.constant 0 : i32
      %lt3A_118 = arith.cmpi slt, %rem3A_114, %lt3A_117 : i32
      %lt3A_119 = arith.constant 0 : i32
      %lt3A_120 = arith.cmpi slt, %select_n3A_113, %lt3A_119 : i32
      %ne3A_121 = arith.xori %lt3A_118, %lt3A_120 : i1
      %and3A_122 = arith.andi %ne3A_121, %ne3A_116 : i1
      %add3A_123 = arith.addi %rem3A_114, %select_n3A_113 : i32
      %select_n3A_124 = arith.select %and3A_122, %add3A_123, %rem3A_114 : i32
      %dma_wait3A_125 = arith.constant 0 : i32
      %dma_wait3A_126 = arith.constant 0 : i32
      %dma_wait3A_127 = tpu.memref_slice %arg8[%select_n3A_90, %dma_wait3A_125, %dma_wait3A_126] : memref<2x128x128xf32, #tpu.memory_space<vmem>> -> memref<1x64x128xf32, #tpu.memory_space<vmem>>
      %dma_wait3A_128 = tpu.memref_squeeze %dma_wait3A_127 : memref<1x64x128xf32, #tpu.memory_space<vmem>> -> memref<64x128xf32, #tpu.memory_space<vmem>>
      %dma_wait3A_129 = arith.constant 0 : i32
      %dma_wait3A_130 = tpu.memref_slice %arg6[%select_n3A_124, %dma_wait3A_129] : memref<2x128xi32, #tpu.memory_space<vmem>> -> memref<1x64xi32, #tpu.memory_space<vmem>>
      %dma_wait3A_131 = tpu.memref_squeeze %dma_wait3A_130 : memref<1x64xi32, #tpu.memory_space<vmem>> -> memref<64xi32, #tpu.memory_space<vmem>>
      %dma_wait3A_132 = arith.constant 0 : i32
      %dma_wait3A_133 = arith.constant 0 : i32
      %dma_wait3A_134 = tpu.memref_slice %arg2[%dma_wait3A_132, %dma_wait3A_133] : memref<10000x128xf32, #tpu.memory_space<hbm>> -> memref<10000x128xf32, #tpu.memory_space<hbm>>
      tpu.wait_indirect_dma semaphore(%arg10 : memref<!tpu.dma_semaphore, #tpu.memory_space<semaphore_mem>>) src(%dma_wait3A_134 : memref<10000x128xf32, #tpu.memory_space<hbm>>) dst(%dma_wait3A_128 : memref<64x128xf32, #tpu.memory_space<vmem>>)
      %dma_wait3A_135 = arith.constant 64 : i32
      %dma_wait3A_136 = arith.constant 0 : i32
      %dma_wait3A_137 = tpu.memref_slice %arg8[%select_n3A_90, %dma_wait3A_135, %dma_wait3A_136] : memref<2x128x128xf32, #tpu.memory_space<vmem>> -> memref<1x64x128xf32, #tpu.memory_space<vmem>>
      %dma_wait3A_138 = tpu.memref_squeeze %dma_wait3A_137 : memref<1x64x128xf32, #tpu.memory_space<vmem>> -> memref<64x128xf32, #tpu.memory_space<vmem>>
      %dma_wait3A_139 = arith.constant 64 : i32
      %dma_wait3A_140 = tpu.memref_slice %arg6[%select_n3A_124, %dma_wait3A_139] : memref<2x128xi32, #tpu.memory_space<vmem>> -> memref<1x64xi32, #tpu.memory_space<vmem>>
      %dma_wait3A_141 = tpu.memref_squeeze %dma_wait3A_140 : memref<1x64xi32, #tpu.memory_space<vmem>> -> memref<64xi32, #tpu.memory_space<vmem>>
      %dma_wait3A_142 = arith.constant 0 : i32
      %dma_wait3A_143 = arith.constant 0 : i32
      %dma_wait3A_144 = tpu.memref_slice %arg2[%dma_wait3A_142, %dma_wait3A_143] : memref<10000x128xf32, #tpu.memory_space<hbm>> -> memref<10000x128xf32, #tpu.memory_space<hbm>>
      tpu.wait_indirect_dma semaphore(%arg10 : memref<!tpu.dma_semaphore, #tpu.memory_space<semaphore_mem>>) src(%dma_wait3A_144 : memref<10000x128xf32, #tpu.memory_space<hbm>>) dst(%dma_wait3A_138 : memref<64x128xf32, #tpu.memory_space<vmem>>)
      %ge3A = arith.constant 1 : i32
      %ge3A_145 = arith.cmpi sge, %scan3A_81, %ge3A : i32
      %convert_element_type3A = arith.extui %ge3A_145 : i1 to i32
      %cond3A = arith.constant 0 : i32
      %cond3A_146 = arith.cmpi ne, %convert_element_type3A, %cond3A : i32
      scf.if %cond3A_146 {
        %dma_wait3A_171 = arith.constant 0 : i32
        %dma_wait3A_172 = arith.constant 0 : i32
        %dma_wait3A_173 = arith.constant 0 : i32
        %dma_wait3A_174 = tpu.memref_slice %arg8[%dma_wait3A_171, %dma_wait3A_172, %dma_wait3A_173] : memref<2x128x128xf32, #tpu.memory_space<vmem>> -> memref<1x128x128xf32, #tpu.memory_space<vmem>>
        %dma_wait3A_175 = tpu.memref_squeeze %dma_wait3A_174 : memref<1x128x128xf32, #tpu.memory_space<vmem>> -> memref<128x128xf32, #tpu.memory_space<vmem>>
        %dma_wait3A_176 = arith.constant 0 : i32
        %dma_wait3A_177 = arith.constant 0 : i32
        %dma_wait3A_178 = tpu.memref_slice %arg9[%dma_wait3A_176, %dma_wait3A_177] : memref<10240x128xf32, #tpu.memory_space<vmem_shared>> -> memref<128x128xf32, #tpu.memory_space<vmem_shared>>
        %dma_wait3A_179 = arith.constant 0 : i32
        %dma_wait3A_180 = arith.constant 0 : i32
        %dma_wait3A_181 = tpu.memref_slice %arg9[%dma_wait3A_179, %dma_wait3A_180] : memref<10240x128xf32, #tpu.memory_space<vmem_shared>> -> memref<128x128xf32, #tpu.memory_space<vmem_shared>>
        %dma_wait3A_182 = arith.constant 0 : i32
        %dma_wait3A_183 = arith.constant 0 : i32
        %dma_wait3A_184 = tpu.memref_slice %arg8[%dma_wait3A_171, %dma_wait3A_182, %dma_wait3A_183] : memref<2x128x128xf32, #tpu.memory_space<vmem>> -> memref<1x128x128xf32, #tpu.memory_space<vmem>>
        %dma_wait3A_185 = tpu.memref_squeeze %dma_wait3A_184 : memref<1x128x128xf32, #tpu.memory_space<vmem>> -> memref<128x128xf32, #tpu.memory_space<vmem>>
        tpu.wait_dma2 semaphore(%arg12 : memref<!tpu.dma_semaphore, #tpu.memory_space<semaphore_mem>>) src(%dma_wait3A_185 : memref<128x128xf32, #tpu.memory_space<vmem>>) dst(%dma_wait3A_181 : memref<128x128xf32, #tpu.memory_space<vmem_shared>>)
      } else {
      }
      %add3A_147 = arith.constant 1 : i32
      %add3A_148 = arith.addi %scan3A_81, %add3A_147 : i32
      %lt3A_149 = arith.constant 80 : i32
      %lt3A_150 = arith.cmpi slt, %add3A_148, %lt3A_149 : i32
      %convert_element_type3A_151 = arith.extui %lt3A_150 : i1 to i32
      %cond3A_152 = arith.constant 0 : i32
      %cond3A_153 = arith.cmpi ne, %convert_element_type3A_151, %cond3A_152 : i32
      scf.if %cond3A_153 {
        %add3A_171 = arith.addi %mul3A_2, %scan3A_81 : i32
        %add3A_172 = arith.constant 1 : i32
        %add3A_173 = arith.addi %add3A_171, %add3A_172 : i32
        %add3A_174 = arith.constant 1 : i32
        %add3A_175 = arith.addi %scan3A_81, %add3A_174 : i32
        %jit3A_176 = arith.constant 2 : i32
        %eq3A_177 = arith.constant 0 : i32
        %eq3A_178 = arith.cmpi eq, %jit3A_176, %eq3A_177 : i32
        %jit3A_179 = arith.constant 1 : i32
        %select_n3A_180 = arith.select %eq3A_178, %jit3A_179, %jit3A_176 : i32
        %rem3A_181 = arith.remsi %add3A_175, %select_n3A_180 : i32
        %ne3A_182 = arith.constant 0 : i32
        %ne3A_183 = arith.cmpi ne, %rem3A_181, %ne3A_182 : i32
        %lt3A_184 = arith.constant 0 : i32
        %lt3A_185 = arith.cmpi slt, %rem3A_181, %lt3A_184 : i32
        %lt3A_186 = arith.constant 0 : i32
        %lt3A_187 = arith.cmpi slt, %select_n3A_180, %lt3A_186 : i32
        %ne3A_188 = arith.xori %lt3A_185, %lt3A_187 : i1
        %and3A_189 = arith.andi %ne3A_188, %ne3A_183 : i1
        %add3A_190 = arith.addi %rem3A_181, %select_n3A_180 : i32
        %select_n3A_191 = arith.select %and3A_189, %add3A_190, %rem3A_181 : i32
        %dma_wait3A_192 = arith.constant 0 : i32
        %dma_wait3A_193 = tpu.memref_slice %arg6[%select_n3A_191, %dma_wait3A_192] : memref<2x128xi32, #tpu.memory_space<vmem>> -> memref<1x128xi32, #tpu.memory_space<vmem>>
        %dma_wait3A_194 = tpu.memref_squeeze %dma_wait3A_193 : memref<1x128xi32, #tpu.memory_space<vmem>> -> memref<128xi32, #tpu.memory_space<vmem>>
        %dma_wait3A_195 = arith.constant 0 : i32
        %dma_wait3A_196 = tpu.memref_slice %arg3[%add3A_173, %dma_wait3A_195] : memref<2560x128xi32, #tpu.memory_space<hbm>> -> memref<1x128xi32, #tpu.memory_space<hbm>>
        %dma_wait3A_197 = tpu.memref_squeeze %dma_wait3A_196 : memref<1x128xi32, #tpu.memory_space<hbm>> -> memref<128xi32, #tpu.memory_space<hbm>>
        %dma_wait3A_198 = arith.constant 0 : i32
        %dma_wait3A_199 = tpu.memref_slice %arg6[%select_n3A_191, %dma_wait3A_198] : memref<2x128xi32, #tpu.memory_space<vmem>> -> memref<1x128xi32, #tpu.memory_space<vmem>>
        %dma_wait3A_200 = tpu.memref_squeeze %dma_wait3A_199 : memref<1x128xi32, #tpu.memory_space<vmem>> -> memref<128xi32, #tpu.memory_space<vmem>>
        %dma_wait3A_201 = arith.constant 0 : i32
        %dma_wait3A_202 = tpu.memref_slice %arg3[%add3A_173, %dma_wait3A_201] : memref<2560x128xi32, #tpu.memory_space<hbm>> -> memref<1x128xi32, #tpu.memory_space<hbm>>
        %dma_wait3A_203 = tpu.memref_squeeze %dma_wait3A_202 : memref<1x128xi32, #tpu.memory_space<hbm>> -> memref<128xi32, #tpu.memory_space<hbm>>
        tpu.wait_dma2 semaphore(%arg11 : memref<!tpu.dma_semaphore, #tpu.memory_space<semaphore_mem>>) src(%dma_wait3A_203 : memref<128xi32, #tpu.memory_space<hbm>>) dst(%dma_wait3A_200 : memref<128xi32, #tpu.memory_space<vmem>>)
        %add3A_204 = arith.constant 1 : i32
        %add3A_205 = arith.addi %scan3A_81, %add3A_204 : i32
        %jit3A_206 = arith.constant 2 : i32
        %eq3A_207 = arith.constant 0 : i32
        %eq3A_208 = arith.cmpi eq, %jit3A_206, %eq3A_207 : i32
        %jit3A_209 = arith.constant 1 : i32
        %select_n3A_210 = arith.select %eq3A_208, %jit3A_209, %jit3A_206 : i32
        %rem3A_211 = arith.remsi %add3A_205, %select_n3A_210 : i32
        %ne3A_212 = arith.constant 0 : i32
        %ne3A_213 = arith.cmpi ne, %rem3A_211, %ne3A_212 : i32
        %lt3A_214 = arith.constant 0 : i32
        %lt3A_215 = arith.cmpi slt, %rem3A_211, %lt3A_214 : i32
        %lt3A_216 = arith.constant 0 : i32
        %lt3A_217 = arith.cmpi slt, %select_n3A_210, %lt3A_216 : i32
        %ne3A_218 = arith.xori %lt3A_215, %lt3A_217 : i1
        %and3A_219 = arith.andi %ne3A_218, %ne3A_213 : i1
        %add3A_220 = arith.addi %rem3A_211, %select_n3A_210 : i32
        %select_n3A_221 = arith.select %and3A_219, %add3A_220, %rem3A_211 : i32
        %dma_start3A_222 = arith.constant 0 : i32
        %dma_start3A_223 = arith.constant 0 : i32
        %dma_start3A_224 = tpu.memref_slice %arg8[%select_n3A_108, %dma_start3A_222, %dma_start3A_223] : memref<2x128x128xf32, #tpu.memory_space<vmem>> -> memref<1x64x128xf32, #tpu.memory_space<vmem>>
        %dma_start3A_225 = tpu.memref_squeeze %dma_start3A_224 : memref<1x64x128xf32, #tpu.memory_space<vmem>> -> memref<64x128xf32, #tpu.memory_space<vmem>>
        %dma_start3A_226 = arith.constant 0 : i32
        %dma_start3A_227 = tpu.memref_slice %arg6[%select_n3A_221, %dma_start3A_226] : memref<2x128xi32, #tpu.memory_space<vmem>> -> memref<1x64xi32, #tpu.memory_space<vmem>>
        %dma_start3A_228 = tpu.memref_squeeze %dma_start3A_227 : memref<1x64xi32, #tpu.memory_space<vmem>> -> memref<64xi32, #tpu.memory_space<vmem>>
        %dma_start3A_229 = arith.constant 0 : i32
        %dma_start3A_230 = arith.constant 0 : i32
        %dma_start3A_231 = tpu.memref_slice %arg2[%dma_start3A_229, %dma_start3A_230] : memref<10000x128xf32, #tpu.memory_space<hbm>> -> memref<10000x128xf32, #tpu.memory_space<hbm>>
        tpu.enqueue_indirect_dma source(%dma_start3A_231 : memref<10000x128xf32, #tpu.memory_space<hbm>>) target(%dma_start3A_225 : memref<64x128xf32, #tpu.memory_space<vmem>>) offsets(%dma_start3A_228 : memref<64xi32, #tpu.memory_space<vmem>>) semaphore(%arg10 : memref<!tpu.dma_semaphore, #tpu.memory_space<semaphore_mem>>)
        %dma_start3A_232 = arith.constant 64 : i32
        %dma_start3A_233 = arith.constant 0 : i32
        %dma_start3A_234 = tpu.memref_slice %arg8[%select_n3A_108, %dma_start3A_232, %dma_start3A_233] : memref<2x128x128xf32, #tpu.memory_space<vmem>> -> memref<1x64x128xf32, #tpu.memory_space<vmem>>
        %dma_start3A_235 = tpu.memref_squeeze %dma_start3A_234 : memref<1x64x128xf32, #tpu.memory_space<vmem>> -> memref<64x128xf32, #tpu.memory_space<vmem>>
        %dma_start3A_236 = arith.constant 64 : i32
        %dma_start3A_237 = tpu.memref_slice %arg6[%select_n3A_221, %dma_start3A_236] : memref<2x128xi32, #tpu.memory_space<vmem>> -> memref<1x64xi32, #tpu.memory_space<vmem>>
        %dma_start3A_238 = tpu.memref_squeeze %dma_start3A_237 : memref<1x64xi32, #tpu.memory_space<vmem>> -> memref<64xi32, #tpu.memory_space<vmem>>
        %dma_start3A_239 = arith.constant 0 : i32
        %dma_start3A_240 = arith.constant 0 : i32
        %dma_start3A_241 = tpu.memref_slice %arg2[%dma_start3A_239, %dma_start3A_240] : memref<10000x128xf32, #tpu.memory_space<hbm>> -> memref<10000x128xf32, #tpu.memory_space<hbm>>
        tpu.enqueue_indirect_dma source(%dma_start3A_241 : memref<10000x128xf32, #tpu.memory_space<hbm>>) target(%dma_start3A_235 : memref<64x128xf32, #tpu.memory_space<vmem>>) offsets(%dma_start3A_238 : memref<64xi32, #tpu.memory_space<vmem>>) semaphore(%arg10 : memref<!tpu.dma_semaphore, #tpu.memory_space<semaphore_mem>>)
      } else {
      }
      %add3A_154 = arith.constant 2 : i32
      %add3A_155 = arith.addi %scan3A_81, %add3A_154 : i32
      %lt3A_156 = arith.constant 80 : i32
      %lt3A_157 = arith.cmpi slt, %add3A_155, %lt3A_156 : i32
      %convert_element_type3A_158 = arith.extui %lt3A_157 : i1 to i32
      %cond3A_159 = arith.constant 0 : i32
      %cond3A_160 = arith.cmpi ne, %convert_element_type3A_158, %cond3A_159 : i32
      scf.if %cond3A_160 {
        %add3A_171 = arith.addi %mul3A_2, %scan3A_81 : i32
        %add3A_172 = arith.constant 2 : i32
        %add3A_173 = arith.addi %add3A_171, %add3A_172 : i32
        %jit3A_174 = arith.constant 2 : i32
        %eq3A_175 = arith.constant 0 : i32
        %eq3A_176 = arith.cmpi eq, %jit3A_174, %eq3A_175 : i32
        %jit3A_177 = arith.constant 1 : i32
        %select_n3A_178 = arith.select %eq3A_176, %jit3A_177, %jit3A_174 : i32
        %rem3A_179 = arith.remsi %scan3A_81, %select_n3A_178 : i32
        %ne3A_180 = arith.constant 0 : i32
        %ne3A_181 = arith.cmpi ne, %rem3A_179, %ne3A_180 : i32
        %lt3A_182 = arith.constant 0 : i32
        %lt3A_183 = arith.cmpi slt, %rem3A_179, %lt3A_182 : i32
        %lt3A_184 = arith.constant 0 : i32
        %lt3A_185 = arith.cmpi slt, %select_n3A_178, %lt3A_184 : i32
        %ne3A_186 = arith.xori %lt3A_183, %lt3A_185 : i1
        %and3A_187 = arith.andi %ne3A_186, %ne3A_181 : i1
        %add3A_188 = arith.addi %rem3A_179, %select_n3A_178 : i32
        %select_n3A_189 = arith.select %and3A_187, %add3A_188, %rem3A_179 : i32
        %dma_start3A_190 = arith.constant 0 : i32
        %dma_start3A_191 = tpu.memref_slice %arg6[%select_n3A_189, %dma_start3A_190] : memref<2x128xi32, #tpu.memory_space<vmem>> -> memref<1x128xi32, #tpu.memory_space<vmem>>
        %dma_start3A_192 = tpu.memref_squeeze %dma_start3A_191 : memref<1x128xi32, #tpu.memory_space<vmem>> -> memref<128xi32, #tpu.memory_space<vmem>>
        %dma_start3A_193 = arith.constant 0 : i32
        %dma_start3A_194 = tpu.memref_slice %arg3[%add3A_173, %dma_start3A_193] : memref<2560x128xi32, #tpu.memory_space<hbm>> -> memref<1x128xi32, #tpu.memory_space<hbm>>
        %dma_start3A_195 = tpu.memref_squeeze %dma_start3A_194 : memref<1x128xi32, #tpu.memory_space<hbm>> -> memref<128xi32, #tpu.memory_space<hbm>>
        %dma_start3A_196 = arith.constant 0 : i32
        %dma_start3A_197 = tpu.memref_slice %arg6[%select_n3A_189, %dma_start3A_196] : memref<2x128xi32, #tpu.memory_space<vmem>> -> memref<1x128xi32, #tpu.memory_space<vmem>>
        %dma_start3A_198 = tpu.memref_squeeze %dma_start3A_197 : memref<1x128xi32, #tpu.memory_space<vmem>> -> memref<128xi32, #tpu.memory_space<vmem>>
        %dma_start3A_199 = arith.constant 0 : i32
        %dma_start3A_200 = tpu.memref_slice %arg3[%add3A_173, %dma_start3A_199] : memref<2560x128xi32, #tpu.memory_space<hbm>> -> memref<1x128xi32, #tpu.memory_space<hbm>>
        %dma_start3A_201 = tpu.memref_squeeze %dma_start3A_200 : memref<1x128xi32, #tpu.memory_space<hbm>> -> memref<128xi32, #tpu.memory_space<hbm>>
        tpu.enqueue_dma source(%dma_start3A_201 : memref<128xi32, #tpu.memory_space<hbm>>) target(%dma_start3A_198 : memref<128xi32, #tpu.memory_space<vmem>>) target_semaphore(%arg11 : memref<!tpu.dma_semaphore, #tpu.memory_space<semaphore_mem>>)
      } else {
      }
      %dma_start3A_161 = arith.constant 0 : i32
      %dma_start3A_162 = arith.constant 0 : i32
      %dma_start3A_163 = tpu.memref_slice %arg8[%select_n3A_90, %dma_start3A_161, %dma_start3A_162] : memref<2x128x128xf32, #tpu.memory_space<vmem>> -> memref<1x128x128xf32, #tpu.memory_space<vmem>>
      %dma_start3A_164 = tpu.memref_squeeze %dma_start3A_163 : memref<1x128x128xf32, #tpu.memory_space<vmem>> -> memref<128x128xf32, #tpu.memory_space<vmem>>
      %dma_start3A_165 = arith.constant 0 : i32
      %dma_start3A_166 = tpu.memref_slice %arg7[%scan3A_81, %dma_start3A_165] : memref<80x128xi32, #tpu.memory_space<vmem>> -> memref<1x128xi32, #tpu.memory_space<vmem>>
      %dma_start3A_167 = tpu.memref_squeeze %dma_start3A_166 : memref<1x128xi32, #tpu.memory_space<vmem>> -> memref<128xi32, #tpu.memory_space<vmem>>
      %dma_start3A_168 = arith.constant 0 : i32
      %dma_start3A_169 = arith.constant 0 : i32
      %dma_start3A_170 = tpu.memref_slice %arg9[%dma_start3A_168, %dma_start3A_169] : memref<10240x128xf32, #tpu.memory_space<vmem_shared>> -> memref<10240x128xf32, #tpu.memory_space<vmem_shared>>
      tpu.enqueue_indirect_dma source(%dma_start3A_164 : memref<128x128xf32, #tpu.memory_space<vmem>>) target(%dma_start3A_170 : memref<10240x128xf32, #tpu.memory_space<vmem_shared>>) offsets(%dma_start3A_167 : memref<128xi32, #tpu.memory_space<vmem>>) semaphore(%arg12 : memref<!tpu.dma_semaphore, #tpu.memory_space<semaphore_mem>>) {add = true}
    }
    %scan3A_59 = arith.constant 80 : i32
    %dma_wait3A = arith.constant 0 : i32
    %dma_wait3A_60 = arith.constant 0 : i32
    %dma_wait3A_61 = arith.constant 0 : i32
    %dma_wait3A_62 = tpu.memref_slice %arg8[%dma_wait3A, %dma_wait3A_60, %dma_wait3A_61] : memref<2x128x128xf32, #tpu.memory_space<vmem>> -> memref<1x128x128xf32, #tpu.memory_space<vmem>>
    %dma_wait3A_63 = tpu.memref_squeeze %dma_wait3A_62 : memref<1x128x128xf32, #tpu.memory_space<vmem>> -> memref<128x128xf32, #tpu.memory_space<vmem>>
    %dma_wait3A_64 = arith.constant 0 : i32
    %dma_wait3A_65 = arith.constant 0 : i32
    %dma_wait3A_66 = tpu.memref_slice %arg9[%dma_wait3A_64, %dma_wait3A_65] : memref<10240x128xf32, #tpu.memory_space<vmem_shared>> -> memref<128x128xf32, #tpu.memory_space<vmem_shared>>
    %dma_wait3A_67 = arith.constant 0 : i32
    %dma_wait3A_68 = arith.constant 0 : i32
    %dma_wait3A_69 = tpu.memref_slice %arg9[%dma_wait3A_67, %dma_wait3A_68] : memref<10240x128xf32, #tpu.memory_space<vmem_shared>> -> memref<128x128xf32, #tpu.memory_space<vmem_shared>>
    %dma_wait3A_70 = arith.constant 0 : i32
    %dma_wait3A_71 = arith.constant 0 : i32
    %dma_wait3A_72 = tpu.memref_slice %arg8[%dma_wait3A, %dma_wait3A_70, %dma_wait3A_71] : memref<2x128x128xf32, #tpu.memory_space<vmem>> -> memref<1x128x128xf32, #tpu.memory_space<vmem>>
    %dma_wait3A_73 = tpu.memref_squeeze %dma_wait3A_72 : memref<1x128x128xf32, #tpu.memory_space<vmem>> -> memref<128x128xf32, #tpu.memory_space<vmem>>
    tpu.wait_dma2 semaphore(%arg12 : memref<!tpu.dma_semaphore, #tpu.memory_space<semaphore_mem>>) src(%dma_wait3A_73 : memref<128x128xf32, #tpu.memory_space<vmem>>) dst(%dma_wait3A_69 : memref<128x128xf32, #tpu.memory_space<vmem_shared>>)
    %barrier3A_74 = arith.constant 0 : index
    tpu.barrier barrier_id(%barrier3A_74)
    %scan3A_75 = arith.constant 0 : i32
    %scan3A_76 = arith.constant 0 : i32
    %scan3A_77 = arith.constant 5 : i32
    %scan3A_78 = arith.addi %scan3A_76, %scan3A_77 : i32
    %scan3A_79 = arith.constant 1 : i32
    scf.for %scan3A_81 = %scan3A_76 to %scan3A_78 step %scan3A_79  : i32 {
      %mul3A_82 = arith.constant 640 : i32
      %mul3A_83 = arith.muli %arg1, %mul3A_82 : i32
      %mul3A_84 = arith.constant 128 : i32
      %mul3A_85 = arith.muli %scan3A_81, %mul3A_84 : i32
      %add3A_86 = arith.addi %mul3A_83, %mul3A_85 : i32
      %run_scoped3A_87 = arith.constant 0 : i32
      "tpu.region"() ({
        %run_scoped3A_89 = tpu.sem_alloc : memref<!tpu.dma_semaphore, #tpu.memory_space<semaphore_mem>>
        %dma_start3A_90 = arith.constant 0 : i32
        %dma_start3A_91 = arith.constant 0 : i32
        %dma_start3A_92 = tpu.memref_slice %arg8[%run_scoped3A_87, %dma_start3A_90, %dma_start3A_91] : memref<2x128x128xf32, #tpu.memory_space<vmem>> -> memref<1x128x128xf32, #tpu.memory_space<vmem>>
        %dma_start3A_93 = tpu.memref_squeeze %dma_start3A_92 : memref<1x128x128xf32, #tpu.memory_space<vmem>> -> memref<128x128xf32, #tpu.memory_space<vmem>>
        %dma_start3A_94 = arith.constant 0 : i32
        %dma_start3A_95 = tpu.memref_slice %arg9[%add3A_86, %dma_start3A_94] : memref<10240x128xf32, #tpu.memory_space<vmem_shared>> -> memref<128x128xf32, #tpu.memory_space<vmem_shared>>
        %dma_start3A_96 = arith.constant 0 : i32
        %dma_start3A_97 = arith.constant 0 : i32
        %dma_start3A_98 = tpu.memref_slice %arg8[%run_scoped3A_87, %dma_start3A_96, %dma_start3A_97] : memref<2x128x128xf32, #tpu.memory_space<vmem>> -> memref<1x128x128xf32, #tpu.memory_space<vmem>>
        %dma_start3A_99 = tpu.memref_squeeze %dma_start3A_98 : memref<1x128x128xf32, #tpu.memory_space<vmem>> -> memref<128x128xf32, #tpu.memory_space<vmem>>
        %dma_start3A_100 = arith.constant 0 : i32
        %dma_start3A_101 = tpu.memref_slice %arg9[%add3A_86, %dma_start3A_100] : memref<10240x128xf32, #tpu.memory_space<vmem_shared>> -> memref<128x128xf32, #tpu.memory_space<vmem_shared>>
        tpu.enqueue_dma source(%dma_start3A_101 : memref<128x128xf32, #tpu.memory_space<vmem_shared>>) target(%dma_start3A_99 : memref<128x128xf32, #tpu.memory_space<vmem>>) target_semaphore(%run_scoped3A_89 : memref<!tpu.dma_semaphore, #tpu.memory_space<semaphore_mem>>)
        %dma_wait3A_102 = arith.constant 0 : i32
        %dma_wait3A_103 = arith.constant 0 : i32
        %dma_wait3A_104 = tpu.memref_slice %arg8[%run_scoped3A_87, %dma_wait3A_102, %dma_wait3A_103] : memref<2x128x128xf32, #tpu.memory_space<vmem>> -> memref<1x128x128xf32, #tpu.memory_space<vmem>>
        %dma_wait3A_105 = tpu.memref_squeeze %dma_wait3A_104 : memref<1x128x128xf32, #tpu.memory_space<vmem>> -> memref<128x128xf32, #tpu.memory_space<vmem>>
        %dma_wait3A_106 = arith.constant 0 : i32
        %dma_wait3A_107 = tpu.memref_slice %arg9[%add3A_86, %dma_wait3A_106] : memref<10240x128xf32, #tpu.memory_space<vmem_shared>> -> memref<128x128xf32, #tpu.memory_space<vmem_shared>>
        %dma_wait3A_108 = arith.constant 0 : i32
        %dma_wait3A_109 = arith.constant 0 : i32
        %dma_wait3A_110 = tpu.memref_slice %arg8[%run_scoped3A_87, %dma_wait3A_108, %dma_wait3A_109] : memref<2x128x128xf32, #tpu.memory_space<vmem>> -> memref<1x128x128xf32, #tpu.memory_space<vmem>>
        %dma_wait3A_111 = tpu.memref_squeeze %dma_wait3A_110 : memref<1x128x128xf32, #tpu.memory_space<vmem>> -> memref<128x128xf32, #tpu.memory_space<vmem>>
        %dma_wait3A_112 = arith.constant 0 : i32
        %dma_wait3A_113 = tpu.memref_slice %arg9[%add3A_86, %dma_wait3A_112] : memref<10240x128xf32, #tpu.memory_space<vmem_shared>> -> memref<128x128xf32, #tpu.memory_space<vmem_shared>>
        tpu.wait_dma2 semaphore(%run_scoped3A_89 : memref<!tpu.dma_semaphore, #tpu.memory_space<semaphore_mem>>) src(%dma_wait3A_113 : memref<128x128xf32, #tpu.memory_space<vmem_shared>>) dst(%dma_wait3A_111 : memref<128x128xf32, #tpu.memory_space<vmem>>)
        tpu.yield
      }) : () -> ()
      %run_scoped3A_88 = arith.constant 0 : i32
      "tpu.region"() ({
        %run_scoped3A_89 = tpu.sem_alloc : memref<!tpu.dma_semaphore, #tpu.memory_space<semaphore_mem>>
        %dma_start3A_90 = arith.constant 0 : i32
        %dma_start3A_91 = arith.constant 0 : i32
        %dma_start3A_92 = tpu.memref_slice %arg8[%run_scoped3A_88, %dma_start3A_90, %dma_start3A_91] : memref<2x128x128xf32, #tpu.memory_space<vmem>> -> memref<1x128x128xf32, #tpu.memory_space<vmem>>
        %dma_start3A_93 = tpu.memref_squeeze %dma_start3A_92 : memref<1x128x128xf32, #tpu.memory_space<vmem>> -> memref<128x128xf32, #tpu.memory_space<vmem>>
        %dma_start3A_94 = arith.constant 0 : i32
        %dma_start3A_95 = tpu.memref_slice %arg5[%arg0, %add3A_86, %dma_start3A_94] : memref<2x10240x128xf32, #tpu.memory_space<hbm>> -> memref<1x128x128xf32, #tpu.memory_space<hbm>>
        %dma_start3A_96 = tpu.memref_squeeze %dma_start3A_95 : memref<1x128x128xf32, #tpu.memory_space<hbm>> -> memref<128x128xf32, #tpu.memory_space<hbm>>
        %dma_start3A_97 = arith.constant 0 : i32
        %dma_start3A_98 = tpu.memref_slice %arg5[%arg0, %add3A_86, %dma_start3A_97] : memref<2x10240x128xf32, #tpu.memory_space<hbm>> -> memref<1x128x128xf32, #tpu.memory_space<hbm>>
        %dma_start3A_99 = tpu.memref_squeeze %dma_start3A_98 : memref<1x128x128xf32, #tpu.memory_space<hbm>> -> memref<128x128xf32, #tpu.memory_space<hbm>>
        %dma_start3A_100 = arith.constant 0 : i32
        %dma_start3A_101 = arith.constant 0 : i32
        %dma_start3A_102 = tpu.memref_slice %arg8[%run_scoped3A_88, %dma_start3A_100, %dma_start3A_101] : memref<2x128x128xf32, #tpu.memory_space<vmem>> -> memref<1x128x128xf32, #tpu.memory_space<vmem>>
        %dma_start3A_103 = tpu.memref_squeeze %dma_start3A_102 : memref<1x128x128xf32, #tpu.memory_space<vmem>> -> memref<128x128xf32, #tpu.memory_space<vmem>>
        tpu.enqueue_dma source(%dma_start3A_103 : memref<128x128xf32, #tpu.memory_space<vmem>>) target(%dma_start3A_99 : memref<128x128xf32, #tpu.memory_space<hbm>>) target_semaphore(%run_scoped3A_89 : memref<!tpu.dma_semaphore, #tpu.memory_space<semaphore_mem>>)
        %dma_wait3A_104 = arith.constant 0 : i32
        %dma_wait3A_105 = arith.constant 0 : i32
        %dma_wait3A_106 = tpu.memref_slice %arg8[%run_scoped3A_88, %dma_wait3A_104, %dma_wait3A_105] : memref<2x128x128xf32, #tpu.memory_space<vmem>> -> memref<1x128x128xf32, #tpu.memory_space<vmem>>
        %dma_wait3A_107 = tpu.memref_squeeze %dma_wait3A_106 : memref<1x128x128xf32, #tpu.memory_space<vmem>> -> memref<128x128xf32, #tpu.memory_space<vmem>>
        %dma_wait3A_108 = arith.constant 0 : i32
        %dma_wait3A_109 = tpu.memref_slice %arg5[%arg0, %add3A_86, %dma_wait3A_108] : memref<2x10240x128xf32, #tpu.memory_space<hbm>> -> memref<1x128x128xf32, #tpu.memory_space<hbm>>
        %dma_wait3A_110 = tpu.memref_squeeze %dma_wait3A_109 : memref<1x128x128xf32, #tpu.memory_space<hbm>> -> memref<128x128xf32, #tpu.memory_space<hbm>>
        %dma_wait3A_111 = arith.constant 0 : i32
        %dma_wait3A_112 = tpu.memref_slice %arg5[%arg0, %add3A_86, %dma_wait3A_111] : memref<2x10240x128xf32, #tpu.memory_space<hbm>> -> memref<1x128x128xf32, #tpu.memory_space<hbm>>
        %dma_wait3A_113 = tpu.memref_squeeze %dma_wait3A_112 : memref<1x128x128xf32, #tpu.memory_space<hbm>> -> memref<128x128xf32, #tpu.memory_space<hbm>>
        %dma_wait3A_114 = arith.constant 0 : i32
        %dma_wait3A_115 = arith.constant 0 : i32
        %dma_wait3A_116 = tpu.memref_slice %arg8[%run_scoped3A_88, %dma_wait3A_114, %dma_wait3A_115] : memref<2x128x128xf32, #tpu.memory_space<vmem>> -> memref<1x128x128xf32, #tpu.memory_space<vmem>>
        %dma_wait3A_117 = tpu.memref_squeeze %dma_wait3A_116 : memref<1x128x128xf32, #tpu.memory_space<vmem>> -> memref<128x128xf32, #tpu.memory_space<vmem>>
        tpu.wait_dma2 semaphore(%run_scoped3A_89 : memref<!tpu.dma_semaphore, #tpu.memory_space<semaphore_mem>>) src(%dma_wait3A_117 : memref<128x128xf32, #tpu.memory_space<vmem>>) dst(%dma_wait3A_113 : memref<128x128xf32, #tpu.memory_space<hbm>>)
        tpu.yield
      }) : () -> ()
    }
    %scan3A_80 = arith.constant 5 : i32
    return
  }
}

module attributes {stable_mosaic.version = 14 : i64} {
  func.func @_prep_body(%arg0: i32, %arg1: memref<32x512xf32, #tpu.memory_space<vmem>>, %arg2: memref<512x128xf32, #tpu.memory_space<vmem>>, %arg3: memref<512x128xf32, #tpu.memory_space<vmem>>, %arg4: memref<512x1xf32, #tpu.memory_space<vmem>>) attributes {dimension_semantics = [#tpu.dimension_semantics<arbitrary>], iteration_bounds = array<i64: 20>, scalar_prefetch = 0 : i64, scratch_operands = 0 : i64, tpu.core_type = #tpu.core_type<tc>, window_params = [{transform_indices = @transform_0, window_bounds = array<i64: 32, 512>}, {transform_indices = @transform_1, window_bounds = array<i64: 512, 128>}, {transform_indices = @transform_2, window_bounds = array<i64: 512, 128>}, {transform_indices = @transform_3, window_bounds = array<i64: 512, 1>}]} {
    %get3A = arith.constant 0 : index
    %get3A_0 = arith.constant 0 : index
    %get3A_1 = vector.load %arg1[%get3A, %get3A_0] : memref<32x512xf32, #tpu.memory_space<vmem>>, vector<32x512xf32>
    %reduce_sum3A = arith.constant dense<0.000000e+00> : vector<512xf32>
    %reduce_sum3A_2 = vector.multi_reduction <add>, %get3A_1, %reduce_sum3A [0] : vector<32x512xf32> to vector<512xf32>
    %broadcast_in_dim3A = vector.shape_cast %reduce_sum3A_2 : vector<512xf32> to vector<512x1xf32>
    %add3A = arith.constant 1.000000e+00 : f32
    %add3A_3 = vector.broadcast %add3A : f32 to vector<512x1xf32>
    %add3A_4 = arith.addf %broadcast_in_dim3A, %add3A_3 : vector<512x1xf32>
    %rsqrt3A = math.rsqrt %add3A_4 : vector<512x1xf32>
    %swap3A = arith.constant 0 : index
    %swap3A_5 = arith.constant 0 : index
    %swap3A_6 = vector.load %arg4[%swap3A, %swap3A_5] : memref<512x1xf32, #tpu.memory_space<vmem>>, vector<512x1xf32>
    tpu.vector_store %arg4[%swap3A, %swap3A_5], %rsqrt3A {strides = array<i32>} : memref<512x1xf32, #tpu.memory_space<vmem>>, vector<512x1xf32>,
    %get3A_7 = arith.constant 0 : index
    %get3A_8 = arith.constant 0 : index
    %get3A_9 = vector.load %arg2[%get3A_7, %get3A_8] : memref<512x128xf32, #tpu.memory_space<vmem>>, vector<512x128xf32>
    %mul3A = vector.broadcast %rsqrt3A : vector<512x1xf32> to vector<512x128xf32>
    %mul3A_10 = arith.mulf %get3A_9, %mul3A : vector<512x128xf32>
    %swap3A_11 = arith.constant 0 : index
    %swap3A_12 = arith.constant 0 : index
    %swap3A_13 = vector.load %arg3[%swap3A_11, %swap3A_12] : memref<512x128xf32, #tpu.memory_space<vmem>>, vector<512x128xf32>
    tpu.vector_store %arg3[%swap3A_11, %swap3A_12], %mul3A_10 {strides = array<i32>} : memref<512x128xf32, #tpu.memory_space<vmem>>, vector<512x128xf32>,
    return
  }
  func.func @transform_0(%arg0: i32) -> (i32, i32) {
    %c0_i32 = arith.constant 0 : i32
    %c0_i32_0 = arith.constant 0 : i32
    return %c0_i32, %arg0 : i32, i32
  }
  func.func @transform_1(%arg0: i32) -> (i32, i32) {
    %c0_i32 = arith.constant 0 : i32
    %c0_i32_0 = arith.constant 0 : i32
    return %arg0, %c0_i32 : i32, i32
  }
  func.func @transform_2(%arg0: i32) -> (i32, i32) {
    %c0_i32 = arith.constant 0 : i32
    %c0_i32_0 = arith.constant 0 : i32
    return %arg0, %c0_i32 : i32, i32
  }
  func.func @transform_3(%arg0: i32) -> (i32, i32) {
    %c0_i32 = arith.constant 0 : i32
    %c0_i32_0 = arith.constant 0 : i32
    return %arg0, %c0_i32 : i32, i32
  }
}

module attributes {stable_mosaic.version = 14 : i64} {
  func.func @_mid_body(%arg0: i32, %arg1: memref<400x128xf32, #tpu.memory_space<vmem>>, %arg2: memref<400x128xf32, #tpu.memory_space<vmem>>, %arg3: memref<400x128xf32, #tpu.memory_space<vmem>>, %arg4: memref<400x1xf32, #tpu.memory_space<vmem>>, %arg5: memref<128x512xf32, #tpu.memory_space<vmem>>, %arg6: memref<1x512xf32, #tpu.memory_space<vmem>>, %arg7: memref<512x4xf32, #tpu.memory_space<vmem>>, %arg8: memref<400x4xf32, #tpu.memory_space<vmem>>) attributes {dimension_semantics = [#tpu.dimension_semantics<arbitrary>], iteration_bounds = array<i64: 25>, scalar_prefetch = 0 : i64, scratch_operands = 0 : i64, tpu.core_type = #tpu.core_type<tc>, window_params = [{transform_indices = @transform_0, window_bounds = array<i64: 400, 128>}, {transform_indices = @transform_1, window_bounds = array<i64: 400, 128>}, {transform_indices = @transform_2, window_bounds = array<i64: 400, 128>}, {transform_indices = @transform_3, window_bounds = array<i64: 400, 1>}, {pipeline_mode = #tpu.pipeline_mode<synchronous>, transform_indices = @transform_4, window_bounds = array<i64: 128, 512>}, {pipeline_mode = #tpu.pipeline_mode<synchronous>, transform_indices = @transform_5, window_bounds = array<i64: 1, 512>}, {pipeline_mode = #tpu.pipeline_mode<synchronous>, transform_indices = @transform_6, window_bounds = array<i64: 512, 4>}, {transform_indices = @transform_7, window_bounds = array<i64: 400, 4>}]} {
    %get3A = arith.constant 0 : index
    %get3A_0 = arith.constant 0 : index
    %get3A_1 = vector.load %arg4[%get3A, %get3A_0] : memref<400x1xf32, #tpu.memory_space<vmem>>, vector<400x1xf32>
    %get3A_2 = arith.constant 0 : index
    %get3A_3 = arith.constant 0 : index
    %get3A_4 = vector.load %arg1[%get3A_2, %get3A_3] : memref<400x128xf32, #tpu.memory_space<vmem>>, vector<400x128xf32>
    %get3A_5 = arith.constant 0 : index
    %get3A_6 = arith.constant 0 : index
    %get3A_7 = vector.load %arg2[%get3A_5, %get3A_6] : memref<400x128xf32, #tpu.memory_space<vmem>>, vector<400x128xf32>
    %add3A = arith.addf %get3A_4, %get3A_7 : vector<400x128xf32>
    %get3A_8 = arith.constant 0 : index
    %get3A_9 = arith.constant 0 : index
    %get3A_10 = vector.load %arg3[%get3A_8, %get3A_9] : memref<400x128xf32, #tpu.memory_space<vmem>>, vector<400x128xf32>
    %add3A_11 = arith.addf %add3A, %get3A_10 : vector<400x128xf32>
    %mul3A = vector.broadcast %get3A_1 : vector<400x1xf32> to vector<400x128xf32>
    %mul3A_12 = arith.mulf %mul3A, %add3A_11 : vector<400x128xf32>
    %get3A_13 = arith.constant 0 : index
    %get3A_14 = arith.constant 0 : index
    %get3A_15 = vector.load %arg5[%get3A_13, %get3A_14] : memref<128x512xf32, #tpu.memory_space<vmem>>, vector<128x512xf32>
    %dot_general3A = arith.constant dense<0.000000e+00> : vector<400x512xf32>
    %dot_general3A_16 = tpu.matmul %mul3A_12, %get3A_15, %dot_general3A {dimension_numbers = #tpu.dot_dimension_numbers<[1], [0], [0], [1], [0, 0, 1, 1], [], []>, transpose_lhs_hint = false} : vector<400x128xf32>, vector<128x512xf32>, vector<400x512xf32> -> vector<400x512xf32>
    %get3A_17 = arith.constant 0 : index
    %get3A_18 = arith.constant 0 : index
    %get3A_19 = vector.load %arg6[%get3A_17, %get3A_18] : memref<1x512xf32, #tpu.memory_space<vmem>>, vector<1x512xf32>
    %add3A_20 = vector.broadcast %get3A_19 : vector<1x512xf32> to vector<400x512xf32>
    %add3A_21 = arith.addf %dot_general3A_16, %add3A_20 : vector<400x512xf32>
    %ge3A = arith.constant 0.000000e+00 : f32
    %ge3A_22 = vector.broadcast %ge3A : f32 to vector<400x512xf32>
    %ge3A_23 = arith.cmpf oge, %add3A_21, %ge3A_22 : vector<400x512xf32>
    %mul3A_24 = arith.constant 0.00999999977 : f32
    %mul3A_25 = vector.broadcast %mul3A_24 : f32 to vector<400x512xf32>
    %mul3A_26 = arith.mulf %mul3A_25, %add3A_21 : vector<400x512xf32>
    %select_n3A = arith.select %ge3A_23, %add3A_21, %mul3A_26 : vector<400x512xi1>, vector<400x512xf32>
    %get3A_27 = arith.constant 0 : index
    %get3A_28 = arith.constant 0 : index
    %get3A_29 = vector.load %arg7[%get3A_27, %get3A_28] : memref<512x4xf32, #tpu.memory_space<vmem>>, vector<512x4xf32>
    %dot_general3A_30 = arith.constant dense<0.000000e+00> : vector<400x4xf32>
    %dot_general3A_31 = tpu.matmul %select_n3A, %get3A_29, %dot_general3A_30 {dimension_numbers = #tpu.dot_dimension_numbers<[1], [0], [0], [1], [0, 0, 1, 1], [], []>, transpose_lhs_hint = false} : vector<400x512xf32>, vector<512x4xf32>, vector<400x4xf32> -> vector<400x4xf32>
    %mul3A_32 = vector.broadcast %get3A_1 : vector<400x1xf32> to vector<400x4xf32>
    %mul3A_33 = arith.mulf %mul3A_32, %dot_general3A_31 : vector<400x4xf32>
    %swap3A = arith.constant 0 : index
    %swap3A_34 = arith.constant 0 : index
    %swap3A_35 = vector.load %arg8[%swap3A, %swap3A_34] : memref<400x4xf32, #tpu.memory_space<vmem>>, vector<400x4xf32>
    tpu.vector_store %arg8[%swap3A, %swap3A_34], %mul3A_33 {strides = array<i32>} : memref<400x4xf32, #tpu.memory_space<vmem>>, vector<400x4xf32>,
    return
  }
  func.func @transform_0(%arg0: i32) -> (i32, i32) {
    %c0_i32 = arith.constant 0 : i32
    %c0_i32_0 = arith.constant 0 : i32
    return %arg0, %c0_i32 : i32, i32
  }
  func.func @transform_1(%arg0: i32) -> (i32, i32) {
    %c0_i32 = arith.constant 0 : i32
    %c0_i32_0 = arith.constant 0 : i32
    return %arg0, %c0_i32 : i32, i32
  }
  func.func @transform_2(%arg0: i32) -> (i32, i32) {
    %c0_i32 = arith.constant 0 : i32
    %c0_i32_0 = arith.constant 0 : i32
    return %arg0, %c0_i32 : i32, i32
  }
  func.func @transform_3(%arg0: i32) -> (i32, i32) {
    %c0_i32 = arith.constant 0 : i32
    %c0_i32_0 = arith.constant 0 : i32
    return %arg0, %c0_i32 : i32, i32
  }
  func.func @transform_4(%arg0: i32) -> (i32, i32) {
    %c0_i32 = arith.constant 0 : i32
    %c0_i32_0 = arith.constant 0 : i32
    %c0_i32_1 = arith.constant 0 : i32
    return %c0_i32, %c0_i32_0 : i32, i32
  }
  func.func @transform_5(%arg0: i32) -> (i32, i32) {
    %c0_i32 = arith.constant 0 : i32
    %c0_i32_0 = arith.constant 0 : i32
    %c0_i32_1 = arith.constant 0 : i32
    return %c0_i32, %c0_i32_0 : i32, i32
  }
  func.func @transform_6(%arg0: i32) -> (i32, i32) {
    %c0_i32 = arith.constant 0 : i32
    %c0_i32_0 = arith.constant 0 : i32
    %c0_i32_1 = arith.constant 0 : i32
    return %c0_i32, %c0_i32_0 : i32, i32
  }
  func.func @transform_7(%arg0: i32) -> (i32, i32) {
    %c0_i32 = arith.constant 0 : i32
    %c0_i32_0 = arith.constant 0 : i32
    return %arg0, %c0_i32 : i32, i32
  }
}

module attributes {stable_mosaic.version = 14 : i64} {
  func.func @_final_body(%arg0: i32, %arg1: memref<4x32x512xf32, #tpu.memory_space<vmem>>, %arg2: memref<512x4xf32, #tpu.memory_space<vmem>>, %arg3: memref<512x1xf32, #tpu.memory_space<vmem>>, %arg4: memref<1x4xf32, #tpu.memory_space<vmem>>, %arg5: memref<512x4xf32, #tpu.memory_space<vmem>>) attributes {dimension_semantics = [#tpu.dimension_semantics<arbitrary>], iteration_bounds = array<i64: 20>, scalar_prefetch = 0 : i64, scratch_operands = 0 : i64, tpu.core_type = #tpu.core_type<tc>, window_params = [{transform_indices = @transform_0, window_bounds = array<i64: 4, 32, 512>}, {transform_indices = @transform_1, window_bounds = array<i64: 512, 4>}, {transform_indices = @transform_2, window_bounds = array<i64: 512, 1>}, {pipeline_mode = #tpu.pipeline_mode<synchronous>, transform_indices = @transform_3, window_bounds = array<i64: 1, 4>}, {transform_indices = @transform_4, window_bounds = array<i64: 512, 4>}]} {
    %get3A = arith.constant 0 : index
    %get3A_0 = arith.constant 0 : index
    %get3A_1 = arith.constant 0 : index
    %get3A_2 = vector.load %arg1[%get3A, %get3A_0, %get3A_1] : memref<4x32x512xf32, #tpu.memory_space<vmem>>, vector<4x32x512xf32>
    %slice3A = vector.extract_strided_slice %get3A_2 {offsets = [0, 0, 0], sizes = [1, 32, 512], strides = [1, 1, 1]} : vector<4x32x512xf32> to vector<1x32x512xf32>
    %squeeze3A = vector.shape_cast %slice3A : vector<1x32x512xf32> to vector<32x512xf32>
    %reduce_sum3A = arith.constant dense<0.000000e+00> : vector<512xf32>
    %reduce_sum3A_3 = vector.multi_reduction <add>, %squeeze3A, %reduce_sum3A [0] : vector<32x512xf32> to vector<512xf32>
    %slice3A_4 = vector.extract_strided_slice %get3A_2 {offsets = [1, 0, 0], sizes = [1, 32, 512], strides = [1, 1, 1]} : vector<4x32x512xf32> to vector<1x32x512xf32>
    %squeeze3A_5 = vector.shape_cast %slice3A_4 : vector<1x32x512xf32> to vector<32x512xf32>
    %reduce_sum3A_6 = arith.constant dense<0.000000e+00> : vector<512xf32>
    %reduce_sum3A_7 = vector.multi_reduction <add>, %squeeze3A_5, %reduce_sum3A_6 [0] : vector<32x512xf32> to vector<512xf32>
    %slice3A_8 = vector.extract_strided_slice %get3A_2 {offsets = [2, 0, 0], sizes = [1, 32, 512], strides = [1, 1, 1]} : vector<4x32x512xf32> to vector<1x32x512xf32>
    %squeeze3A_9 = vector.shape_cast %slice3A_8 : vector<1x32x512xf32> to vector<32x512xf32>
    %reduce_sum3A_10 = arith.constant dense<0.000000e+00> : vector<512xf32>
    %reduce_sum3A_11 = vector.multi_reduction <add>, %squeeze3A_9, %reduce_sum3A_10 [0] : vector<32x512xf32> to vector<512xf32>
    %slice3A_12 = vector.extract_strided_slice %get3A_2 {offsets = [3, 0, 0], sizes = [1, 32, 512], strides = [1, 1, 1]} : vector<4x32x512xf32> to vector<1x32x512xf32>
    %squeeze3A_13 = vector.shape_cast %slice3A_12 : vector<1x32x512xf32> to vector<32x512xf32>
    %reduce_sum3A_14 = arith.constant dense<0.000000e+00> : vector<512xf32>
    %reduce_sum3A_15 = vector.multi_reduction <add>, %squeeze3A_13, %reduce_sum3A_14 [0] : vector<32x512xf32> to vector<512xf32>
    %stack3A = vector.shape_cast %reduce_sum3A_3 : vector<512xf32> to vector<512x1xf32>
    %stack3A_16 = vector.shape_cast %reduce_sum3A_7 : vector<512xf32> to vector<512x1xf32>
    %stack3A_17 = vector.shape_cast %reduce_sum3A_11 : vector<512xf32> to vector<512x1xf32>
    %stack3A_18 = vector.shape_cast %reduce_sum3A_15 : vector<512xf32> to vector<512x1xf32>
    %stack3A_19 = tpu.concatenate %stack3A, %stack3A_16, %stack3A_17, %stack3A_18 in 1 : vector<512x1xf32>, vector<512x1xf32>, vector<512x1xf32>, vector<512x1xf32> -> vector<512x4xf32>
    %get3A_20 = arith.constant 0 : index
    %get3A_21 = arith.constant 0 : index
    %get3A_22 = vector.load %arg3[%get3A_20, %get3A_21] : memref<512x1xf32, #tpu.memory_space<vmem>>, vector<512x1xf32>
    %get3A_23 = arith.constant 0 : index
    %get3A_24 = arith.constant 0 : index
    %get3A_25 = vector.load %arg2[%get3A_23, %get3A_24] : memref<512x4xf32, #tpu.memory_space<vmem>>, vector<512x4xf32>
    %add3A = arith.addf %stack3A_19, %get3A_25 : vector<512x4xf32>
    %mul3A = vector.broadcast %get3A_22 : vector<512x1xf32> to vector<512x4xf32>
    %mul3A_26 = arith.mulf %mul3A, %add3A : vector<512x4xf32>
    %get3A_27 = arith.constant 0 : index
    %get3A_28 = arith.constant 0 : index
    %get3A_29 = vector.load %arg4[%get3A_27, %get3A_28] : memref<1x4xf32, #tpu.memory_space<vmem>>, vector<1x4xf32>
    %add3A_30 = vector.broadcast %get3A_29 : vector<1x4xf32> to vector<512x4xf32>
    %add3A_31 = arith.addf %mul3A_26, %add3A_30 : vector<512x4xf32>
    %reduce_max3A = arith.constant dense<0xFF800000> : vector<512xf32>
    %reduce_max3A_32 = vector.multi_reduction <maximumf>, %add3A_31, %reduce_max3A [1] : vector<512x4xf32> to vector<512xf32>
    %broadcast_in_dim3A = vector.shape_cast %reduce_max3A_32 : vector<512xf32> to vector<512x1xf32>
    %sub3A = vector.broadcast %broadcast_in_dim3A : vector<512x1xf32> to vector<512x4xf32>
    %sub3A_33 = arith.subf %add3A_31, %sub3A : vector<512x4xf32>
    %exp3A = math.exp %sub3A_33 : vector<512x4xf32>
    %reduce_sum3A_34 = arith.constant dense<0.000000e+00> : vector<512xf32>
    %reduce_sum3A_35 = vector.multi_reduction <add>, %exp3A, %reduce_sum3A_34 [1] : vector<512x4xf32> to vector<512xf32>
    %broadcast_in_dim3A_36 = vector.shape_cast %reduce_sum3A_35 : vector<512xf32> to vector<512x1xf32>
    %log3A = math.log %broadcast_in_dim3A_36 : vector<512x1xf32>
    %sub3A_37 = vector.broadcast %broadcast_in_dim3A : vector<512x1xf32> to vector<512x4xf32>
    %sub3A_38 = arith.subf %add3A_31, %sub3A_37 : vector<512x4xf32>
    %sub3A_39 = vector.broadcast %log3A : vector<512x1xf32> to vector<512x4xf32>
    %sub3A_40 = arith.subf %sub3A_38, %sub3A_39 : vector<512x4xf32>
    %swap3A = arith.constant 0 : index
    %swap3A_41 = arith.constant 0 : index
    %swap3A_42 = vector.load %arg5[%swap3A, %swap3A_41] : memref<512x4xf32, #tpu.memory_space<vmem>>, vector<512x4xf32>
    tpu.vector_store %arg5[%swap3A, %swap3A_41], %sub3A_40 {strides = array<i32>} : memref<512x4xf32, #tpu.memory_space<vmem>>, vector<512x4xf32>,
    return
  }
  func.func @transform_0(%arg0: i32) -> (i32, i32, i32) {
    %c0_i32 = arith.constant 0 : i32
    %c0_i32_0 = arith.constant 0 : i32
    %c0_i32_1 = arith.constant 0 : i32
    return %c0_i32, %c0_i32_0, %arg0 : i32, i32, i32
  }
  func.func @transform_1(%arg0: i32) -> (i32, i32) {
    %c0_i32 = arith.constant 0 : i32
    %c0_i32_0 = arith.constant 0 : i32
    return %arg0, %c0_i32 : i32, i32
  }
  func.func @transform_2(%arg0: i32) -> (i32, i32) {
    %c0_i32 = arith.constant 0 : i32
    %c0_i32_0 = arith.constant 0 : i32
    return %arg0, %c0_i32 : i32, i32
  }
  func.func @transform_3(%arg0: i32) -> (i32, i32) {
    %c0_i32 = arith.constant 0 : i32
    %c0_i32_0 = arith.constant 0 : i32
    %c0_i32_1 = arith.constant 0 : i32
    return %c0_i32, %c0_i32_0 : i32, i32
  }
  func.func @transform_4(%arg0: i32) -> (i32, i32) {
    %c0_i32 = arith.constant 0 : i32
    %c0_i32_0 = arith.constant 0 : i32
    return %arg0, %c0_i32 : i32, i32
  }
}

</mosaic_0001>

<sc_bundles>
// kernel: kernel.11.cloned.1.call-start
scs
__scs_entry_jumppad:
0x0: {  	(pc) =	sbr.rel $0x88, $3  }
0x1: {  	(tag) =	ssettag $0x0;
	lr =	simm.s32 $0x1  }
0x2: {  	[smem:$0x3F9B] =	sst lr;
	_ =	strace $0xD0000000  }
0x3: {  	_ = 	snop  }
0x4: {  	_ = 	snop  }
0x5: {  	_ = 	snop  }
0x6: {  	_ = 	snop  }
0x7: {  	_ = 	snop  }
__scs_overlays_trampoline_lowered:
0x8: {  	[smem:$0x3FAA] =	sst s0  }
0x9: {  	[smem:$0x3FAB] =	sst s1  }
0xa: {  	[smem:$0x3FAC] =	sst s2  }
0xb: {  	[smem:$0x3FAD] =	sst s3  }
0xc: {  	[smem:$0x3FAE] =	sst s4  }
0xd: {  	[smem:$0x3FAF] =	sst s5  }
0xe: {  	[smem:$0x3FB0] =	sst s6  }
0xf: {  	[smem:$0x3FB1] =	sst s7  }
0x10: {  	[smem:$0x3FB2] =	sst s8  }
0x11: {  	[smem:$0x3FB3] =	sst s9;
	s0 =	simm.s32 @!p0 $0x0  }
0x12: {  	s1 =	sld [smem:$0x3F99];
	s0 =	simm.s32 @p0 $0x1  }
0x13: {  	[smem:$0x3FB4] =	sst s0;
	s0 =	simm.s32 @!p1 $0x0  }
0x14: {  	s2 =	sld [smem:$0x3F98];
	s0 =	simm.s32 @p1 $0x1  }
0x15: {  	[smem:$0x3FB5] =	sst s0;
	s0 =	simm.s32 @!p2 $0x0  }
0x16: {  	s3 =	sld [smem:$0x3FDB];
	s0 =	simm.s32 @p2 $0x1  }
0x17: {  	s4 =	simm.s32 $0x1BF5;
	[smem:$0x3FB7] =	sst s0  }
0x18: {  	s0 =	sld [smem:$0x3F9A];
	_ =	swait.ge [sflag:s4], $0x0  }
0x19: {  	s7 =	sld [smem:$0x3F9B]  }
0x1a: {  	s8 =	sadd.s32 $0xFFFFE003, lr  }
0x1b: {  	s9 =	sadd.s32 $0xFFFFFEF7, lr;
	s5 =	simm.s32 $0xFFFFFFFF;
	p2 =	slt.u32 s8, $0xFFFFF086  }
0x1c: {  	p1 =	slt.u32 s9, $0xF7A;
	s5 =	simm.s32 @!p2 $0x0  }
0x1d: {  	s5 =	simm.s32 @p1 $0x1;
	p0 =	seq.s32 s7, s2  }
0x1e: {  	s7 =	smul.u32 @!p0 $0xF7A, s2;
	p2 =	seq.s32 @!p0 s5, $0x0  }
0x1f: {  	s9 =	smul.u32 $0xF7A, s1;
	s8 =	simm.s32 @!p0 $0x1BF5;
	p2 =	por !p2, p0  }
0x20: {  	[sflag:s8] =	ssyncset.s32 @!p0 $0xFFFFF086;
	s6 =	sadd.s32 @!p0 s3, s7;
	s7 =	simm.s32 @!p0 $0x108  }
0x21: {  	s3 =	sadd.s32 s3, s9;
	s6 =	sadd.s32 @!p0 $0x88, s6;
	s7 =	simm.s32 @p2 $0x1082  }
0x22: {  	[simem:s7], [sflag:s8] =	dma.local @!p0 [hbm:s6], $0xF7A  }
0x23: {  	s9 =	sor.u32 $0xD0000000, s2;
	s6 =	simm.s32 $0x108;
	_ =	swait.ge @!p0 [sflag:s8], $0x0  }
0x24: {  	s3 =	sadd.s32 $0x88, s3;
	s6 =	simm.s32 @!p1 $0x1082;
	[sflag:s4] =	ssyncset.s32 $0xFFFFF086  }
0x25: {  	[simem:s6], [sflag:s4] =	dma.local [hbm:s3], $0xF7A  }
0x26: {  	[smem:$0x3F9B] =	sst s1;
	(tag) =	ssettag s2;
	_ =	strace s9  }
0x27: {  	s1 =	sld [smem:$0x3FAB]  }
0x28: {  	s2 =	sld [smem:$0x3FAC]  }
0x29: {  	s4 =	sld [smem:$0x3FAE]  }
0x2a: {  	p0 =	seq.s32 s5, $0x0;
	s5 =	sld [smem:$0x3FAF]  }
0x2b: {  	s6 =	sld [smem:$0x3FB0]  }
0x2c: {  	s7 =	sld [smem:$0x3FB1]  }
0x2d: {  	s3 =	simm.s32 $0x108;
	s8 =	sld [smem:$0x3FB2]  }
0x2e: {  	s3 =	simm.s32 @!p0 $0x1082;
	s9 =	sld [smem:$0x3FB3]  }
0x2f: {  	lr =	sadd.s32 s0, s3;
	s0 =	sld [smem:$0x3FAA]  }
0x30: {  	s3 =	sld [smem:$0x3FAD]  }
0x31: {  	[smem:$0x3FB6] =	sst s10  }
0x32: {  	s10 =	sld [smem:$0x3FB4];
	_ =	sdelay $0x3  }
0x33: {  	p0 =	seq.s32 s10, $0x1;
	s10 =	sld [smem:$0x3FB6];
	_ =	sdelay $0x3  }
0x34: {  	[smem:$0x3FB6] =	sst s10  }
0x35: {  	s10 =	sld [smem:$0x3FB5];
	_ =	sdelay $0x3  }
0x36: {  	p1 =	seq.s32 s10, $0x1;
	s10 =	sld [smem:$0x3FB6];
	_ =	sdelay $0x3  }
0x37: {  	[smem:$0x3FB6] =	sst s10  }
0x38: {  	s10 =	sld [smem:$0x3FB7]  }
0x39: {  	_ = 	snop;
	(pc) =	sbr.ind lr, $3  }
0x3a: {  	_ = 	snop  }
0x3b: {  	_ = 	snop  }
0x3c: {  	p2 =	seq.s32 s10, $0x1;
	s10 =	sld [smem:$0x3FB6]  }
0x3d: {  	_ =	shalt  }
0x3e: {  	_ =	shalt  }
0x3f: {  	_ =	shalt  }
0x40: {  	_ =	shalt  }
0x41: {  	_ =	shalt  }
0x42: {  	_ =	shalt  }
0x43: {  	_ =	shalt  }
0x44: {  	_ =	shalt  }
0x45: {  	_ =	shalt  }
0x46: {  	_ =	shalt  }
0x47: {  	_ =	shalt  }
0x48: {  	_ =	shalt  }
0x49: {  	_ =	shalt  }
0x4a: {  	_ =	shalt  }
0x4b: {  	_ =	shalt  }
0x4c: {  	_ =	shalt  }
0x4d: {  	_ =	shalt  }
0x4e: {  	_ =	shalt  }
0x4f: {  	_ =	shalt  }
0x50: {  	_ =	shalt  }
0x51: {  	_ =	shalt  }
0x52: {  	_ =	shalt  }
0x53: {  	_ =	shalt  }
0x54: {  	_ =	shalt  }
0x55: {  	_ =	shalt  }
0x56: {  	_ =	shalt  }
0x57: {  	_ =	shalt  }
0x58: {  	_ =	shalt  }
0x59: {  	_ =	shalt  }
0x5a: {  	_ =	shalt  }
0x5b: {  	_ =	shalt  }
0x5c: {  	_ =	shalt  }
0x5d: {  	_ =	shalt  }
0x5e: {  	_ =	shalt  }
0x5f: {  	_ =	shalt  }
0x60: {  	_ =	shalt  }
0x61: {  	_ =	shalt  }
0x62: {  	_ =	shalt  }
0x63: {  	_ =	shalt  }
0x64: {  	_ =	shalt  }
0x65: {  	_ =	shalt  }
0x66: {  	_ =	shalt  }
0x67: {  	_ =	shalt  }
0x68: {  	_ =	shalt  }
0x69: {  	_ =	shalt  }
0x6a: {  	_ =	shalt  }
0x6b: {  	_ =	shalt  }
0x6c: {  	_ =	shalt  }
0x6d: {  	_ =	shalt  }
0x6e: {  	_ =	shalt  }
0x6f: {  	_ =	shalt  }
0x70: {  	_ =	shalt  }
0x71: {  	_ =	shalt  }
0x72: {  	_ =	shalt  }
0x73: {  	_ =	shalt  }
0x74: {  	_ =	shalt  }
0x75: {  	_ =	shalt  }
0x76: {  	_ =	shalt  }
0x77: {  	_ =	shalt  }
0x78: {  	_ =	shalt  }
0x79: {  	_ =	shalt  }
0x7a: {  	_ =	shalt  }
0x7b: {  	_ =	shalt  }
0x7c: {  	_ =	shalt  }
0x7d: {  	_ =	shalt  }
0x7e: {  	_ =	shalt  }
0x7f: {  	_ =	shalt  }
0x80: {  	_ =	shalt  }
0x81: {  	_ =	shalt  }
0x82: {  	_ =	shalt  }
0x83: {  	_ =	shalt  }
0x84: {  	_ =	shalt  }
0x85: {  	_ =	shalt  }
0x86: {  	_ =	shalt  }
0x87: {  	_ =	shalt  }
.Lfunc_end0:
.L_simem_size_0:
called_computation.1_lowered:
.L_overlay_start_0:
0x88: {  	s2 =	sld [smem:$0x3FD9]  }
0x89: {  	s3 =	sld [smem:$0x3FFE];
	_ =	sdelay $0x1  }
0x8a: {  	s1 =	srdreg.scid  }
0x8b: {  	s0 =	sand.u32 $0x1, s1  }
0x8c: {  	s16 =	sshll.u32 s0, $0xA;
	s2 =	sadd.s32 s3, s2  }
0x8d: {  	s2 =	sadd.s32 s2, s16  }
0x8e: {  	[smem:$0x3FC2] =	sst s2  }
0x8f: {  	_ = 	snop  }
0x90: {  	(tm) =	ssettm $0x1  }
0x91: {  	s17 =	sld [smem:$0x3FFB];
	_ =	sdelay $0x3  }
0x92: {  	_ =	strace s17  }
0x93: {  	s2 =	sld [smem:$0x3FFC];
	_ =	sdelay $0x3  }
0x94: {  	_ =	strace s2  }
0x95: {  	s2 =	sld [smem:$0x3FFD];
	_ =	sdelay $0x3  }
0x96: {  	_ =	strace s2  }
0x97: {  	_ =	strace $0x8FFFFFFF  }
0x98: {  	s18 =	sld [smem:$0x3FDB];
	_ =	sdelay $0x1  }
0x99: {  	s19 =	simm.s32 $_scs_section_size  }
0x9a: {  	s4 =	simm.s32 $_size__tile_overlayer_lowered;
	s5 =	simm.s32 $_tile_overlayer_lowered  }
0x9b: {  	s22 =	simm.s32 $0x1BFF;
	s21 =	sshll.u32 s5, $0x1;
	s2 =	sadd.s32 s19, s18  }
0x9c: {  	s6 =	simm.s32 $0x0;
	s20 =	sshll.u32 s4, $0x1;
	s4 =	sadd.s32 s21, s2  }
0x9d: {  	[timem:s6], [sflag:s22] =	dma.local [hbm:s4], s20  }
0x9e: {  	_ =	swait.ge [sflag:s22], s20  }
0x9f: {  	s3 =	ssub.s32 $0x0, s20;
	[sflag:s22] =	ssyncset.done $0x0  }
0xa0: {  	[sflag:s22] =	ssyncadd.s32 s3;
	_ =	sdelay $0x1  }
0xa1: {  	s23 =	simm.s32 $0x1B8B  }
0xa2: {  	_ =	swait.ge [sflag:s23], $0x1  }
0xa3: {  	[sflag:s23] =	ssyncset.done $0x0  }
0xa4: {  	s25 =	simm.s32 $0x1B8E;
	s24 =	sld [smem:$0x3FFE];
	[sflag:s23] =	ssyncadd.s32 $0xFFFFFFFF  }
0xa5: {  	s26 =	simm.s32 $execute0_lowered;
	[smem:$0x3FD2] =	sst s25  }
0xa6: {  	s4 =	sshll.u32 s26, $0x1;
	_ =	strace $0x80000049;
	[dreg:$0x1] =	wrdreg $0xFFFFFFFF  }
0xa7: {  	s28 =	simm.s32 $_size_execute0_lowered;
	s2 =	sadd.s32 s2, s4;
	[dreg:$0x0] =	wrdreg $0x0  }
0xa8: {  	s4 =	sshll.u32 s28, $0x1;
	[dreg:$0x2] =	wrdreg s2  }
0xa9: {  	[dreg:$0x3] =	wrdreg s4  }
0xaa: {  	[dreg:$0x4] =	wrdreg $0xC0  }
0xab: {  	_ =	task [dreg:s6], $0x5FFFF  }
0xac: {  	[dreg:$0x1] =	wrdreg $0xFFFFFFFF  }
0xad: {  	[dreg:$0x0] =	wrdreg $0x60  }
0xae: {  	[dreg:$0x2] =	wrdreg s24  }
0xaf: {  	[dreg:$0x3] =	wrdreg $0xA9000  }
0xb0: {  	[dreg:$0x4] =	wrdreg $0x9  }
0xb1: {  	_ =	task.clear_ibuf [dreg:s6], $0x5FFFF;
	_ =	strace $0x90000049  }
0xb2: {  	s29 =	simm.s32 $0x9;
	_ =	strace $0x8000004B  }
0xb3: {  	_ =	swait.ge [sflag:s29], $0x1  }
0xb4: {  	[sflag:s29] =	ssyncadd.s32 $0xFFFFFFFF  }
0xb5: {  	_ =	strace $0x9000004B  }
0xb6: {  	_ =	sfence  }
0xb7: {  	s30 =	sld [smem:$0x0];
	_ =	sdelay $0x2  }
0xb8: {  	s31 =	sshll.u32 s1, $0xD;
	s1 =	sshrl.u32 s1, $0x2  }
0xb9: {  	s3 =	sand.u32 $0x4000, s31;
	s1 =	sadd.s32 s1, s30  }
0xba: {  	s0 =	sor.u32 s3, s0;
	s1 =	sshll.u32 s1, $0x11  }
0xbb: {  	s0 =	sor.u32 s1, s0  }
0xbc: {  	s0 =	sadd.s32 $0x8F2B, s0  }
0xbd: {  	[sflag:s0] =	ssyncadd.remote.s32 $0x1  }
0xbe: {  	_ =	sfence.sel $0xFFFF  }
0xbf: {  	[dreg:$0x0] =	wrdreg $0xFFFFFFFF;
	(pc) =	sbr.abs _section_cstart, $3  }
0xc0: {  	[dreg:$0x1] =	wrdreg $0xFFFFFFFF  }
0xc1: {  	_ =	task.clear_ibuf [dreg:s6], $0x2FFFF;
	_ =	strace $0x9FFFFFFF  }
0xc2: {  	(tm) =	ssettm $0x7FFFFFFF  }
0xc3: {  	_ =	shalt  }
tec
execute0_lowered:
.L_overlay_start_1:
0x0: {  	(tag) =	ssettag $0x1  }
0x1: {  	s0 =	rddreg [dreg:$0x0]  }
0x2: {  	s1 =	rddreg [dreg:$0x1]  }
0x3: {  	s2 =	srdreg.scid;
	s3 =	simm.s32 $0x0;
	s11 =	stileid.u32  }
0x4: {  	s28 =	simm.s32 $0x2900;
	s29 =	simm.s32 $0x40;
	s10 =	smul.u32 $0x50000, s11  }
0x5: {  	s31 =	simm.s32 $0x80;
	s30 =	simm.s32 $0x3;
	s18 =	smul.u32 $0x14000, s11  }
0x6: {  	s2 =	sand.u32 $0x1, s2;
	[smem:$0x7FF] =	sst s3;
	s26 =	smul.u32 $0x500, s11  }
0x7: {  	s8 =	sadd.s32 $0xC400, s0;
	s4 =	sshll.u32 s2, $0x4;
	s13 =	smul.u32 $0x140000, s2  }
0x8: {  	_ =	strace $0x8000004A;
	s6 =	ssub.s32 $0x2, s2;
	s2 =	smul.u32 $0x5000, s2  }
0x9: {  	s4 =	sor.u32 s11, s4;
	s9 =	sshrl.u32 s6, $0x1;
	s12 =	sshrl.u32 s10, $0x2  }
0xa: {  	s10 =	sadd.s32 $0x10000, s18;
	s5 =	smul.u32 $0x500, s4;
	s4 =	sadd.s32 $0x16400, s0  }
0xb: {  	s9 =	ssub.s32 s6, s9;
	s22 =	sadd.s32 s13, s18;
	s25 =	sadd.s32 s2, s8  }
0xc: {  	s2 =	simm.s32 $0x2;
	s9 =	smax.u32 s9, $0x1;
	s7 =	sadd.s32 s5, s0  }
0xd: {  	s0 =	sadd.s32 $0x3D600, s0;
	s6 =	sadd.s32 s8, s5;
	[dreg:$0x5] =	wrdreg s9  }
0xe: {  	s9 =	sshrl.u32 s22, $0x3;
	s22 =	sadd.s32 $0xC000, s18;
	s5 =	sadd.s32 s13, s10  }
0xf: {  	s7 =	sadd.s32 $0x2400, s7;
	s17 =	sadd.s32 $0x10, s6;
	s14 =	sadd.s32 s0, s9  }
0x10: {  	s16 =	sadd.s32 s13, s22;
	[dreg:$0x3] =	wrdreg s7;
	s7 =	sadd.s32 s12, s1  }
0x11: {  	s5 =	sshrl.u32 s5, $0x3;
	[dreg:$0x4] =	wrdreg s17;
	s19 =	sadd.s32 $0x4000, s7  }
0x12: {  	s22 =	sadd.s32 s22, s1;
	s20 =	sadd.s32 $0x8000, s7;
	[dreg:$0x6] =	wrdreg s19  }
0x13: {  	s17 =	sshrl.u32 s16, $0x3;
	s21 =	sadd.s32 $0xC000, s7;
	[dreg:$0x7] =	wrdreg s20  }
0x14: {  	s12 =	sadd.s32 $0x10000, s7;
	s17 =	sadd.s32 s0, s17;
	[dreg:$0x8] =	wrdreg s21  }
0x15: {  	s20 =	sadd.s32 $0x4000, s18;
	[dreg:$0x9] =	wrdreg s12;
	s21 =	sadd.s32 $0x8000, s18  }
0x16: {  	s18 =	sadd.s32 s0, s5;
	s19 =	sadd.s32 $0x20, s6;
	s5 =	simm.s32 $0x0  }
.Ltmp0:
0x17: {  	s15 =	sadd.s32 s13, s20;
	s24 =	sadd.s32 s13, s21;
	(pc) =	sbr.rel .LBB2_1-.Ltmp0, $4  }
0x18: {  	s20 =	sadd.s32 s20, s1;
	s23 =	sshrl.u32 s15, $0x3;
	s9 =	sshrl.u32 s24, $0x3  }
0x19: {  	s21 =	sadd.s32 s21, s1;
	s15 =	sadd.s32 s0, s23;
	s16 =	sadd.s32 s0, s9  }
0x1a: {  	s23 =	sadd.s32 s10, s1;
	s0 =	sadd.s32 s26, s25;
	s25 =	simm.s32 $0x100  }
0x1b: {  	v0 =	vimm.f32 $0.0e+00;
	s26 =	simm.s32 $0x4;
	s10 =	sadd.s32 $0x30, s0;
	s0 =	simm.s32 $0x1  }
.LBB2_5:
0x1c: {  	s8 =	simm.s32 $0x6900;
	s9 =	simm.s32 $0x2880  }
0x1d: {  	[spmem:s1] =	stream.indirect.scatter.add.f32 [tilespmem:s8], [sflag:$0x3], $0x80, s9, s31, $0xb8;
	[tilespmem:$0x1E900] =	vst v63  }
.LBB2_7:
0x1e: {  	_ =	swait.ge [sflag:s30], $0x4000  }
0x1f: {  	[sflag:s30] =	ssyncset.done $0x0  }
0x20: {  	[sflag:s30] =	ssyncadd.s32 $0xFFFFC000  }
0x21: {  	[bflag:$0x0] =	sbarrier.arrive $0xFFFF  }
0x22: {  	[tilespmem:s28], [sflag:$0x4] =	stream.linear.gather [spmem:s7], $0x4000, $0x38;
	[tilespmem:$0x1E900] =	vst v63  }
0x23: {  	_ =	swait.ge [sflag:s26], $0x4000  }
0x24: {  	[sflag:s26] =	ssyncset.done $0x0  }
0x25: {  	[sflag:s26] =	ssyncadd.s32 $0xFFFFC000  }
0x26: {  	[hbm4b:s14+s3] =	stream.linear.scatter [tilespmem:s28], [sflag:$0x4], $0x4000, $0x38;
	[tilespmem:$0x1E900] =	vst v63  }
0x27: {  	_ =	swait.ge [sflag:s26], $0x4000  }
0x28: {  	[sflag:s26] =	ssyncset.done $0x0  }
0x29: {  	[sflag:s26] =	ssyncadd.s32 $0xFFFFC000  }
0x2a: {  	[tilespmem:s28], [sflag:$0x4] =	stream.linear.gather [spmem:s20], $0x4000, $0x38;
	[tilespmem:$0x1E900] =	vst v63  }
0x2b: {  	_ =	swait.ge [sflag:s26], $0x4000  }
0x2c: {  	[sflag:s26] =	ssyncset.done $0x0  }
0x2d: {  	[sflag:s26] =	ssyncadd.s32 $0xFFFFC000  }
0x2e: {  	[hbm4b:s15+s3] =	stream.linear.scatter [tilespmem:s28], [sflag:$0x4], $0x4000, $0x38;
	[tilespmem:$0x1E900] =	vst v63  }
0x2f: {  	_ =	swait.ge [sflag:s26], $0x4000  }
0x30: {  	[sflag:s26] =	ssyncset.done $0x0  }
0x31: {  	[sflag:s26] =	ssyncadd.s32 $0xFFFFC000  }
0x32: {  	[tilespmem:s28], [sflag:$0x4] =	stream.linear.gather [spmem:s21], $0x4000, $0x38;
	[tilespmem:$0x1E900] =	vst v63  }
0x33: {  	_ =	swait.ge [sflag:s26], $0x4000  }
0x34: {  	[sflag:s26] =	ssyncset.done $0x0  }
0x35: {  	[sflag:s26] =	ssyncadd.s32 $0xFFFFC000  }
0x36: {  	[hbm4b:s16+s3] =	stream.linear.scatter [tilespmem:s28], [sflag:$0x4], $0x4000, $0x38;
	[tilespmem:$0x1E900] =	vst v63  }
0x37: {  	_ =	swait.ge [sflag:s26], $0x4000  }
0x38: {  	[sflag:s26] =	ssyncset.done $0x0  }
0x39: {  	[sflag:s26] =	ssyncadd.s32 $0xFFFFC000  }
0x3a: {  	[tilespmem:s28], [sflag:$0x4] =	stream.linear.gather [spmem:s22], $0x4000, $0x38;
	[tilespmem:$0x1E900] =	vst v63  }
0x3b: {  	_ =	swait.ge [sflag:s26], $0x4000  }
0x3c: {  	[sflag:s26] =	ssyncset.done $0x0  }
0x3d: {  	[sflag:s26] =	ssyncadd.s32 $0xFFFFC000  }
0x3e: {  	[hbm4b:s17+s3] =	stream.linear.scatter [tilespmem:s28], [sflag:$0x4], $0x4000, $0x38;
	[tilespmem:$0x1E900] =	vst v63  }
0x3f: {  	_ =	swait.ge [sflag:s26], $0x4000  }
0x40: {  	[sflag:s26] =	ssyncset.done $0x0  }
0x41: {  	[sflag:s26] =	ssyncadd.s32 $0xFFFFC000  }
0x42: {  	[tilespmem:s28], [sflag:$0x4] =	stream.linear.gather [spmem:s23], $0x4000, $0x38;
	[tilespmem:$0x1E900] =	vst v63  }
0x43: {  	_ =	swait.ge [sflag:s26], $0x4000  }
0x44: {  	[sflag:s26] =	ssyncset.done $0x0  }
0x45: {  	[sflag:s26] =	ssyncadd.s32 $0xFFFFC000  }
0x46: {  	[hbm4b:s18+s3] =	stream.linear.scatter [tilespmem:s28], [sflag:$0x4], $0x4000, $0x38;
	[tilespmem:$0x1E900] =	vst v63  }
0x47: {  	_ =	swait.ge [sflag:s26], $0x4000  }
0x48: {  	s5 =	sadd.s32 $0x1, s5;
	s8 =	rddreg [dreg:$0x5]  }
0x49: {  	p0 =	sne.s32 s5, s8  }
.Ltmp1:
0x4a: {  	_ = 	snop;
	(pc) =	sbr.rel @!p0 .LBB2_8-.Ltmp1, $3  }
0x4b: {  	_ =	sdelay $0x1  }
0x4c: {  	[sflag:s26] =	ssyncset.done $0x0  }
0x4d: {  	[sflag:s26] =	ssyncadd.s32 $0xFFFFC000  }
.LBB2_1:
0x4e: {  	s8 =	rddreg [dreg:$0x3]  }
0x4f: {  	[tilespmem:s25], [sflag:$0x4] =	stream.linear.gather [hbm4b:s8+s3], $0x2800, $0x38;
	[tilespmem:$0x1E900] =	vst v63  }
0x50: {  	_ =	swait.ge [sflag:s26], $0x2800  }
0x51: {  	[sflag:s26] =	ssyncset.done $0x0  }
0x52: {  	s9 =	simm.s32 $0x200;
	s8 =	simm.s32 $0x0;
	[sflag:s26] =	ssyncadd.s32 $0xFFFFD800  }
.LBB2_2:
0x53: {  	p0 =	sne.s32 s9, $0xFE00;
	[tilespmem:s8+$0x2970] =	vst v0  }
0x54: {  	[tilespmem:s8+$0x2900] =	vst v0  }
0x55: {  	[tilespmem:s8+$0x2910] =	vst v0  }
.Ltmp2:
0x56: {  	[tilespmem:s8+$0x2920] =	vst v0;
	(pc) =	sbr.rel @p0 .LBB2_2-.Ltmp2, $4  }
0x57: {  	[tilespmem:s8+$0x2930] =	vst v0  }
0x58: {  	[tilespmem:s8+$0x2940] =	vst v0  }
0x59: {  	[tilespmem:s8+$0x2950] =	vst v0  }
0x5a: {  	[tilespmem:s8+$0x2960] =	vst v0;
	s8 =	sshra.s32 s9, $0x2;
	s9 =	sadd.s32 $0x200, s9  }
0x5b: {  	[tilespmem:s8+$0x2970] =	vst v0  }
0x5c: {  	[tilespmem:s8+$0x2900] =	vst v0  }
0x5d: {  	[tilespmem:s8+$0x2910] =	vst v0  }
0x5e: {  	[tilespmem:s8+$0x2920] =	vst v0  }
0x5f: {  	[tilespmem:s8+$0x2930] =	vst v0  }
0x60: {  	[tilespmem:s8+$0x2940] =	vst v0  }
0x61: {  	[tilespmem:s8+$0x2950] =	vst v0  }
0x62: {  	[tilespmem:s8+$0x2960] =	vst v0  }
0x63: {  	[spmem:s7] =	stream.linear.scatter [tilespmem:s28], [sflag:$0x4], $0x4000, $0x38;
	[tilespmem:$0x1E900] =	vst v63  }
0x64: {  	_ =	swait.ge [sflag:s26], $0x4000  }
0x65: {  	[sflag:s26] =	ssyncset.done $0x0  }
0x66: {  	s13 =	rddreg [dreg:$0x6];
	[sflag:s26] =	ssyncadd.s32 $0xFFFFC000  }
0x67: {  	[spmem:s13] =	stream.linear.scatter [tilespmem:s28], [sflag:$0x4], $0x4000, $0x38;
	[tilespmem:$0x1E900] =	vst v63  }
0x68: {  	_ =	swait.ge [sflag:s26], $0x4000  }
0x69: {  	[sflag:s26] =	ssyncset.done $0x0  }
0x6a: {  	s24 =	rddreg [dreg:$0x7];
	[sflag:s26] =	ssyncadd.s32 $0xFFFFC000  }
0x6b: {  	[spmem:s24] =	stream.linear.scatter [tilespmem:s28], [sflag:$0x4], $0x4000, $0x38;
	[tilespmem:$0x1E900] =	vst v63  }
0x6c: {  	_ =	swait.ge [sflag:s26], $0x4000  }
0x6d: {  	[sflag:s26] =	ssyncset.done $0x0  }
0x6e: {  	s9 =	rddreg [dreg:$0x8];
	[sflag:s26] =	ssyncadd.s32 $0xFFFFC000  }
0x6f: {  	[spmem:s9] =	stream.linear.scatter [tilespmem:s28], [sflag:$0x4], $0x4000, $0x38;
	[tilespmem:$0x1E900] =	vst v63  }
0x70: {  	_ =	swait.ge [sflag:s26], $0x4000  }
0x71: {  	[sflag:s26] =	ssyncset.done $0x0  }
0x72: {  	s11 =	rddreg [dreg:$0x9];
	[sflag:s26] =	ssyncadd.s32 $0xFFFFC000  }
0x73: {  	[spmem:s11] =	stream.linear.scatter [tilespmem:s28], [sflag:$0x4], $0x4000, $0x38;
	[tilespmem:$0x1E900] =	vst v63  }
0x74: {  	_ =	swait.ge [sflag:s26], $0x4000  }
0x75: {  	[sflag:s26] =	ssyncset.done $0x0  }
0x76: {  	[sflag:s26] =	ssyncadd.s32 $0xFFFFC000  }
0x77: {  	[bflag:$0x0] =	sbarrier.arrive $0xFFFF  }
0x78: {  	[tilespmem:s3], [sflag:$0x4] =	stream.linear.gather [hbm4b:s6+s3], $0x80, $0x38;
	[tilespmem:$0x1E900] =	vst v63  }
0x79: {  	_ =	swait.ge [sflag:s26], $0x80  }
0x7a: {  	[sflag:s26] =	ssyncset.done $0x0  }
0x7b: {  	[sflag:s26] =	ssyncadd.s32 $0xFFFFFF80  }
0x7c: {  	[tilespmem:s28], [sflag:$0x1] =	stream.indirect.gather [hbm4b:s4+s29], $0x80, s3, s29, $0xb8;
	[tilespmem:$0x1E900] =	vst v63  }
0x7d: {  	s12 =	simm.s32 $0x4900  }
0x7e: {  	[tilespmem:s12], [sflag:$0x1] =	stream.indirect.gather [hbm4b:s4+s29], $0x80, s29, s29, $0xb8;
	[tilespmem:$0x1E900] =	vst v63  }
0x7f: {  	s13 =	rddreg [dreg:$0x4]  }
0x80: {  	[tilespmem:s31], [sflag:$0x2] =	stream.linear.gather [hbm4b:s13+s3], $0x80, $0x38;
	[tilespmem:$0x1E900] =	vst v63  }
0x81: {  	_ =	swait.ge [sflag:s0], $0x2000  }
0x82: {  	[sflag:s0] =	ssyncset.done $0x0  }
0x83: {  	[sflag:s0] =	ssyncadd.s32 $0xFFFFE000  }
0x84: {  	_ =	swait.ge [sflag:s0], $0x2000  }
0x85: {  	[sflag:s0] =	ssyncset.done $0x0  }
0x86: {  	s8 =	simm.s32 $0x2;
	[sflag:s0] =	ssyncadd.s32 $0xFFFFE000  }
0x87: {  	_ =	swait.ge [sflag:s8], $0x80  }
0x88: {  	[sflag:s8] =	ssyncset.done $0x0  }
0x89: {  	s9 =	simm.s32 $0x6900;
	[sflag:s8] =	ssyncadd.s32 $0xFFFFFF80  }
0x8a: {  	[tilespmem:s9], [sflag:$0x1] =	stream.indirect.gather [hbm4b:s4+s29], $0x80, s31, s29, $0xb8;
	[tilespmem:$0x1E900] =	vst v63  }
0x8b: {  	s24 =	simm.s32 $0xC0;
	s11 =	simm.s32 $0x8900  }
0x8c: {  	[tilespmem:s11], [sflag:$0x1] =	stream.indirect.gather [hbm4b:s4+s29], $0x80, s24, s29, $0xb8;
	[tilespmem:$0x1E900] =	vst v63  }
0x8d: {  	_ = 	snop  }
0x8e: {  	[tilespmem:s3], [sflag:$0x2] =	stream.linear.gather [hbm4b:s19+s3], $0x80, $0x38;
	[tilespmem:$0x1E900] =	vst v63  }
0x8f: {  	s9 =	simm.s32 $0x180;
	s24 =	smov.u32 s10  }
0x90: {  	[spmem:s1] =	stream.indirect.scatter.add.f32 [tilespmem:s28], [sflag:$0x3], $0x80, s25, s31, $0xb8;
	[tilespmem:$0x1E900] =	vst v63  }
.LBB2_4:
0x91: {  	_ =	swait.ge [sflag:s0], $0x2000  }
0x92: {  	[sflag:s0] =	ssyncset.done $0x0  }
0x93: {  	[sflag:s0] =	ssyncadd.s32 $0xFFFFE000  }
0x94: {  	p0 =	sne.s32 s8, $0x50;
	_ =	swait.ge [sflag:s0], $0x2000  }
.Ltmp3:
0x95: {  	[sflag:s0] =	ssyncset.done $0x0;
	(pc) =	sbr.rel @!p0 .LBB2_5-.Ltmp3, $4  }
0x96: {  	[sflag:s0] =	ssyncadd.s32 $0xFFFFE000  }
0x97: {  	_ =	swait.ge [sflag:s30], $0x4000  }
0x98: {  	[sflag:s30] =	ssyncset.done $0x0  }
0x99: {  	[sflag:s30] =	ssyncadd.s32 $0xFFFFC000  }
0x9a: {  	s11 =	sand.u32 $0x1, s8;
	_ =	swait.ge [sflag:s2], $0x80  }
0x9b: {  	[sflag:s2] =	ssyncset.done $0x0;
	s12 =	sshll.u32 s11, $0xE  }
0x9c: {  	s11 =	sshll.u32 s11, $0x7;
	[sflag:s2] =	ssyncadd.s32 $0xFFFFFF80;
	s13 =	sor.u32 $0x2900, s12  }
0x9d: {  	[tilespmem:s13], [sflag:$0x1] =	stream.indirect.gather [hbm4b:s4+s29], $0x80, s11, s29, $0xb8;
	[tilespmem:$0x1E900] =	vst v63  }
0x9e: {  	s12 =	sadd.s32 $0x4900, s12;
	s13 =	sadd.s32 $0xFFFFFFFF, s8;
	s11 =	sor.u32 $0x40, s11  }
0x9f: {  	[tilespmem:s12], [sflag:$0x1] =	stream.indirect.gather [hbm4b:s4+s29], $0x80, s11, s29, $0xb8;
	[tilespmem:$0x1E900] =	vst v63  }
0xa0: {  	p0 =	sgt.u32 s13, $0x4D;
	s11 =	sand.u32 $0x1, s13  }
0xa1: {  	s8 =	sadd.s32 $0x1, s8;
	s13 =	simm.s32 @!p0 $0x0;
	s12 =	sshll.u32 @!p0 s11, $0x7  }
0xa2: {  	[tilespmem:s12], [sflag:$0x2] =	stream.linear.gather @!p0 [hbm4b:s24+s13], $0x80, $0x38;
	[tilespmem:$0x1E900] =	vst v63  }
0xa3: {  	p0 =	sne.s32 s8, $0x51  }
.Ltmp4:
0xa4: {  	_ = 	snop;
	(pc) =	sbr.rel @p0 .LBB2_4-.Ltmp4, $4  }
.Ltmp5:
0xa5: {  	s11 =	sshll.u32 s11, $0xE;
	(pc) =	sbr.rel @!p0 .LBB2_7-.Ltmp5, $4  }
0xa6: {  	s11 =	sor.u32 $0x2900, s11  }
0xa7: {  	[spmem:s1] =	stream.indirect.scatter.add.f32 [tilespmem:s11], [sflag:$0x3], $0x80, s9, s31, $0xb8;
	[tilespmem:$0x1E900] =	vst v63  }
0xa8: {  	s24 =	sadd.s32 $0x10, s24;
	s9 =	sadd.s32 $0x80, s9  }
0xa9: {  	_ = 	snop  }
.LBB2_8:
0xaa: {  	_ =	sfence.sel $0x180000  }
0xab: {  	[bflag:$0x0] =	sbarrier.arrive $0xFFFF  }
0xac: {  	_ =	strace $0x9000004A  }
0xad: {  	s0 =	stileid.u32;
	[bflag:$0x2] =	sbarrier.arrive $0xFFFF  }
0xae: {  	p0 =	sne.s32 s0, $0x0;
	s0 =	rddreg [dreg:$0x2]  }
0xaf: {  	s0 =	sadd.s32 @!p0 $0x100000, s0  }
0xb0: {  	[sflag:s0] =	ssyncadd.tile.s32 @!p0 $0x1;
	_ =	shalt  }
.Lfunc_end2:
_tile_overlayer_lowered:
.L_overlay_start_2:
0xb1: {  	(tag) =	ssettag $0x2  }
0xb2: {  	s0 =	rddreg [dreg:$0x0];
	s2 =	stileid.u32  }
0xb3: {  	s1 =	rddreg [dreg:$0x1];
	p0 =	sne.s32 s2, $0x0  }
0xb4: {  	s3 =	rddreg [dreg:$0x2];
	[bflag:$0x3] =	sbarrier.arrive $0xFFFF;
	s2 =	simm.s32 @!p0 $0x1C04  }
0xb5: {  	[timem:s3], [sflag:s2] =	dma.local @!p0 [hbm:s0], s1  }
0xb6: {  	s0 =	simm.s32 @!p0 $0x4  }
0xb7: {  	_ =	swait.ge @!p0 [sflag:s0], s1  }
0xb8: {  	s1 =	ssub.s32 @!p0 $0x0, s1;
	[sflag:s0] =	ssyncset.done @!p0 $0x0  }
0xb9: {  	[sflag:s0] =	ssyncadd.s32 @!p0 s1  }
0xba: {  	[bflag:$0x3] =	sbarrier.arrive $0xFFFF  }
0xbb: {  	_ =	shalt  }

// kernel: kernel.14.cloned.1.call-start
scs
__scs_entry_jumppad:
0x0: {  	(pc) =	sbr.rel $0x88, $3  }
0x1: {  	(tag) =	ssettag $0x0;
	lr =	simm.s32 $0x1  }
0x2: {  	[smem:$0x3F9B] =	sst lr;
	_ =	strace $0xD0000000  }
0x3: {  	_ = 	snop  }
0x4: {  	_ = 	snop  }
0x5: {  	_ = 	snop  }
0x6: {  	_ = 	snop  }
0x7: {  	_ = 	snop  }
__scs_overlays_trampoline_lowered:
0x8: {  	[smem:$0x3FAA] =	sst s0  }
0x9: {  	[smem:$0x3FAB] =	sst s1  }
0xa: {  	[smem:$0x3FAC] =	sst s2  }
0xb: {  	[smem:$0x3FAD] =	sst s3  }
0xc: {  	[smem:$0x3FAE] =	sst s4  }
0xd: {  	[smem:$0x3FAF] =	sst s5  }
0xe: {  	[smem:$0x3FB0] =	sst s6  }
0xf: {  	[smem:$0x3FB1] =	sst s7  }
0x10: {  	[smem:$0x3FB2] =	sst s8  }
0x11: {  	[smem:$0x3FB3] =	sst s9;
	s0 =	simm.s32 @!p0 $0x0  }
0x12: {  	s1 =	sld [smem:$0x3F99];
	s0 =	simm.s32 @p0 $0x1  }
0x13: {  	[smem:$0x3FB4] =	sst s0;
	s0 =	simm.s32 @!p1 $0x0  }
0x14: {  	s2 =	sld [smem:$0x3F98];
	s0 =	simm.s32 @p1 $0x1  }
0x15: {  	[smem:$0x3FB5] =	sst s0;
	s0 =	simm.s32 @!p2 $0x0  }
0x16: {  	s3 =	sld [smem:$0x3FDB];
	s0 =	simm.s32 @p2 $0x1  }
0x17: {  	s4 =	simm.s32 $0x1BF5;
	[smem:$0x3FB7] =	sst s0  }
0x18: {  	s0 =	sld [smem:$0x3F9A];
	_ =	swait.ge [sflag:s4], $0x0  }
0x19: {  	s7 =	sld [smem:$0x3F9B]  }
0x1a: {  	s8 =	sadd.s32 $0xFFFFE003, lr  }
0x1b: {  	s9 =	sadd.s32 $0xFFFFFEF7, lr;
	s5 =	simm.s32 $0xFFFFFFFF;
	p2 =	slt.u32 s8, $0xFFFFF086  }
0x1c: {  	p1 =	slt.u32 s9, $0xF7A;
	s5 =	simm.s32 @!p2 $0x0  }
0x1d: {  	s5 =	simm.s32 @p1 $0x1;
	p0 =	seq.s32 s7, s2  }
0x1e: {  	s7 =	smul.u32 @!p0 $0xF7A, s2;
	p2 =	seq.s32 @!p0 s5, $0x0  }
0x1f: {  	s9 =	smul.u32 $0xF7A, s1;
	s8 =	simm.s32 @!p0 $0x1BF5;
	p2 =	por !p2, p0  }
0x20: {  	[sflag:s8] =	ssyncset.s32 @!p0 $0xFFFFF086;
	s6 =	sadd.s32 @!p0 s3, s7;
	s7 =	simm.s32 @!p0 $0x108  }
0x21: {  	s3 =	sadd.s32 s3, s9;
	s6 =	sadd.s32 @!p0 $0x88, s6;
	s7 =	simm.s32 @p2 $0x1082  }
0x22: {  	[simem:s7], [sflag:s8] =	dma.local @!p0 [hbm:s6], $0xF7A  }
0x23: {  	s9 =	sor.u32 $0xD0000000, s2;
	s6 =	simm.s32 $0x108;
	_ =	swait.ge @!p0 [sflag:s8], $0x0  }
0x24: {  	s3 =	sadd.s32 $0x88, s3;
	s6 =	simm.s32 @!p1 $0x1082;
	[sflag:s4] =	ssyncset.s32 $0xFFFFF086  }
0x25: {  	[simem:s6], [sflag:s4] =	dma.local [hbm:s3], $0xF7A  }
0x26: {  	[smem:$0x3F9B] =	sst s1;
	(tag) =	ssettag s2;
	_ =	strace s9  }
0x27: {  	s1 =	sld [smem:$0x3FAB]  }
0x28: {  	s2 =	sld [smem:$0x3FAC]  }
0x29: {  	s4 =	sld [smem:$0x3FAE]  }
0x2a: {  	p0 =	seq.s32 s5, $0x0;
	s5 =	sld [smem:$0x3FAF]  }
0x2b: {  	s6 =	sld [smem:$0x3FB0]  }
0x2c: {  	s7 =	sld [smem:$0x3FB1]  }
0x2d: {  	s3 =	simm.s32 $0x108;
	s8 =	sld [smem:$0x3FB2]  }
0x2e: {  	s3 =	simm.s32 @!p0 $0x1082;
	s9 =	sld [smem:$0x3FB3]  }
0x2f: {  	lr =	sadd.s32 s0, s3;
	s0 =	sld [smem:$0x3FAA]  }
0x30: {  	s3 =	sld [smem:$0x3FAD]  }
0x31: {  	[smem:$0x3FB6] =	sst s10  }
0x32: {  	s10 =	sld [smem:$0x3FB4];
	_ =	sdelay $0x3  }
0x33: {  	p0 =	seq.s32 s10, $0x1;
	s10 =	sld [smem:$0x3FB6];
	_ =	sdelay $0x3  }
0x34: {  	[smem:$0x3FB6] =	sst s10  }
0x35: {  	s10 =	sld [smem:$0x3FB5];
	_ =	sdelay $0x3  }
0x36: {  	p1 =	seq.s32 s10, $0x1;
	s10 =	sld [smem:$0x3FB6];
	_ =	sdelay $0x3  }
0x37: {  	[smem:$0x3FB6] =	sst s10  }
0x38: {  	s10 =	sld [smem:$0x3FB7]  }
0x39: {  	_ = 	snop;
	(pc) =	sbr.ind lr, $3  }
0x3a: {  	_ = 	snop  }
0x3b: {  	_ = 	snop  }
0x3c: {  	p2 =	seq.s32 s10, $0x1;
	s10 =	sld [smem:$0x3FB6]  }
0x3d: {  	_ =	shalt  }
0x3e: {  	_ =	shalt  }
0x3f: {  	_ =	shalt  }
0x40: {  	_ =	shalt  }
0x41: {  	_ =	shalt  }
0x42: {  	_ =	shalt  }
0x43: {  	_ =	shalt  }
0x44: {  	_ =	shalt  }
0x45: {  	_ =	shalt  }
0x46: {  	_ =	shalt  }
0x47: {  	_ =	shalt  }
0x48: {  	_ =	shalt  }
0x49: {  	_ =	shalt  }
0x4a: {  	_ =	shalt  }
0x4b: {  	_ =	shalt  }
0x4c: {  	_ =	shalt  }
0x4d: {  	_ =	shalt  }
0x4e: {  	_ =	shalt  }
0x4f: {  	_ =	shalt  }
0x50: {  	_ =	shalt  }
0x51: {  	_ =	shalt  }
0x52: {  	_ =	shalt  }
0x53: {  	_ =	shalt  }
0x54: {  	_ =	shalt  }
0x55: {  	_ =	shalt  }
0x56: {  	_ =	shalt  }
0x57: {  	_ =	shalt  }
0x58: {  	_ =	shalt  }
0x59: {  	_ =	shalt  }
0x5a: {  	_ =	shalt  }
0x5b: {  	_ =	shalt  }
0x5c: {  	_ =	shalt  }
0x5d: {  	_ =	shalt  }
0x5e: {  	_ =	shalt  }
0x5f: {  	_ =	shalt  }
0x60: {  	_ =	shalt  }
0x61: {  	_ =	shalt  }
0x62: {  	_ =	shalt  }
0x63: {  	_ =	shalt  }
0x64: {  	_ =	shalt  }
0x65: {  	_ =	shalt  }
0x66: {  	_ =	shalt  }
0x67: {  	_ =	shalt  }
0x68: {  	_ =	shalt  }
0x69: {  	_ =	shalt  }
0x6a: {  	_ =	shalt  }
0x6b: {  	_ =	shalt  }
0x6c: {  	_ =	shalt  }
0x6d: {  	_ =	shalt  }
0x6e: {  	_ =	shalt  }
0x6f: {  	_ =	shalt  }
0x70: {  	_ =	shalt  }
0x71: {  	_ =	shalt  }
0x72: {  	_ =	shalt  }
0x73: {  	_ =	shalt  }
0x74: {  	_ =	shalt  }
0x75: {  	_ =	shalt  }
0x76: {  	_ =	shalt  }
0x77: {  	_ =	shalt  }
0x78: {  	_ =	shalt  }
0x79: {  	_ =	shalt  }
0x7a: {  	_ =	shalt  }
0x7b: {  	_ =	shalt  }
0x7c: {  	_ =	shalt  }
0x7d: {  	_ =	shalt  }
0x7e: {  	_ =	shalt  }
0x7f: {  	_ =	shalt  }
0x80: {  	_ =	shalt  }
0x81: {  	_ =	shalt  }
0x82: {  	_ =	shalt  }
0x83: {  	_ =	shalt  }
0x84: {  	_ =	shalt  }
0x85: {  	_ =	shalt  }
0x86: {  	_ =	shalt  }
0x87: {  	_ =	shalt  }
.Lfunc_end0:
.L_simem_size_0:
called_computation.2_lowered:
.L_overlay_start_0:
0x88: {  	s2 =	sld [smem:$0x3FD9]  }
0x89: {  	s3 =	sld [smem:$0x3FFE];
	_ =	sdelay $0x1  }
0x8a: {  	s1 =	srdreg.scid  }
0x8b: {  	s0 =	sand.u32 $0x1, s1  }
0x8c: {  	s16 =	sshll.u32 s0, $0xA;
	s2 =	sadd.s32 s3, s2  }
0x8d: {  	s2 =	sadd.s32 s2, s16  }
0x8e: {  	[smem:$0x3FC2] =	sst s2  }
0x8f: {  	_ = 	snop  }
0x90: {  	(tm) =	ssettm $0x1  }
0x91: {  	s17 =	sld [smem:$0x3FFB];
	_ =	sdelay $0x3  }
0x92: {  	_ =	strace s17  }
0x93: {  	s2 =	sld [smem:$0x3FFC];
	_ =	sdelay $0x3  }
0x94: {  	_ =	strace s2  }
0x95: {  	s2 =	sld [smem:$0x3FFD];
	_ =	sdelay $0x3  }
0x96: {  	_ =	strace s2  }
0x97: {  	_ =	strace $0x8FFFFFFF  }
0x98: {  	s18 =	sld [smem:$0x3FDB];
	_ =	sdelay $0x1  }
0x99: {  	s19 =	simm.s32 $_scs_section_size  }
0x9a: {  	s4 =	simm.s32 $_size__tile_overlayer_lowered;
	s5 =	simm.s32 $_tile_overlayer_lowered  }
0x9b: {  	s22 =	simm.s32 $0x1BFF;
	s21 =	sshll.u32 s5, $0x1;
	s2 =	sadd.s32 s19, s18  }
0x9c: {  	s6 =	simm.s32 $0x0;
	s20 =	sshll.u32 s4, $0x1;
	s4 =	sadd.s32 s21, s2  }
0x9d: {  	[timem:s6], [sflag:s22] =	dma.local [hbm:s4], s20  }
0x9e: {  	_ =	swait.ge [sflag:s22], s20  }
0x9f: {  	s3 =	ssub.s32 $0x0, s20;
	[sflag:s22] =	ssyncset.done $0x0  }
0xa0: {  	[sflag:s22] =	ssyncadd.s32 s3;
	_ =	sdelay $0x1  }
0xa1: {  	s23 =	simm.s32 $0x1B8B  }
0xa2: {  	_ =	swait.ge [sflag:s23], $0x1  }
0xa3: {  	[sflag:s23] =	ssyncset.done $0x0  }
0xa4: {  	s25 =	simm.s32 $0x1B8E;
	s24 =	sld [smem:$0x3FFE];
	[sflag:s23] =	ssyncadd.s32 $0xFFFFFFFF  }
0xa5: {  	s26 =	simm.s32 $execute0_lowered;
	[smem:$0x3FD2] =	sst s25  }
0xa6: {  	s4 =	sshll.u32 s26, $0x1;
	_ =	strace $0x8000004C;
	[dreg:$0x1] =	wrdreg $0xFFFFFFFF  }
0xa7: {  	s28 =	simm.s32 $_size_execute0_lowered;
	s2 =	sadd.s32 s2, s4;
	[dreg:$0x0] =	wrdreg $0x0  }
0xa8: {  	s4 =	sshll.u32 s28, $0x1;
	[dreg:$0x2] =	wrdreg s2  }
0xa9: {  	[dreg:$0x3] =	wrdreg s4  }
0xaa: {  	[dreg:$0x4] =	wrdreg $0xC0  }
0xab: {  	_ =	task [dreg:s6], $0x5FFFF  }
0xac: {  	[dreg:$0x1] =	wrdreg $0xFFFFFFFF  }
0xad: {  	[dreg:$0x0] =	wrdreg $0x60  }
0xae: {  	[dreg:$0x2] =	wrdreg s24  }
0xaf: {  	[dreg:$0x3] =	wrdreg $0x9  }
0xb0: {  	_ =	task.clear_ibuf [dreg:s6], $0x4FFFF;
	_ =	strace $0x9000004C  }
0xb1: {  	s29 =	simm.s32 $0x9;
	_ =	strace $0x8000004E  }
0xb2: {  	_ =	swait.ge [sflag:s29], $0x1  }
0xb3: {  	[sflag:s29] =	ssyncadd.s32 $0xFFFFFFFF  }
0xb4: {  	_ =	strace $0x9000004E  }
0xb5: {  	_ =	sfence  }
0xb6: {  	s30 =	sld [smem:$0x0];
	_ =	sdelay $0x2  }
0xb7: {  	s31 =	sshll.u32 s1, $0xD;
	s1 =	sshrl.u32 s1, $0x2  }
0xb8: {  	s3 =	sand.u32 $0x4000, s31;
	s1 =	sadd.s32 s1, s30  }
0xb9: {  	s0 =	sor.u32 s3, s0;
	s1 =	sshll.u32 s1, $0x11  }
0xba: {  	s0 =	sor.u32 s1, s0  }
0xbb: {  	s0 =	sadd.s32 $0x8F2B, s0  }
0xbc: {  	[sflag:s0] =	ssyncadd.remote.s32 $0x1  }
0xbd: {  	_ =	sfence.sel $0xFFFF  }
0xbe: {  	[dreg:$0x0] =	wrdreg $0xFFFFFFFF;
	(pc) =	sbr.abs _section_cstart, $3  }
0xbf: {  	[dreg:$0x1] =	wrdreg $0xFFFFFFFF  }
0xc0: {  	_ =	task.clear_ibuf [dreg:s6], $0x2FFFF;
	_ =	strace $0x9FFFFFFF  }
0xc1: {  	(tm) =	ssettm $0x7FFFFFFF  }
tec
execute0_lowered:
.L_overlay_start_1:
0x0: {  	(tag) =	ssettag $0x1  }
0x1: {  	s0 =	srdreg.scid  }
0x2: {  	s8 =	rddreg [dreg:$0x0];
	s1 =	stileid.u32  }
0x3: {  	s2 =	simm.s32 $0x0;
	s12 =	simm.s32 $0x1;
	s4 =	sand.u32 $0x1, s0  }
0x4: {  	s13 =	simm.s32 $0x2800;
	s14 =	simm.s32 $0x5000;
	s3 =	sshll.u32 s4, $0x4  }
0x5: {  	s15 =	simm.s32 $0x9E20;
	s16 =	simm.s32 $0xC620;
	s3 =	sor.u32 s1, s3  }
0x6: {  	s17 =	simm.s32 $0x0;
	s0 =	rddreg [dreg:$0x1];
	s5 =	smul.u32 $0x2800, s3  }
0x7: {  	[smem:$0x7FF] =	sst s2;
	s4 =	ssub.s32 $0x2, s4;
	s6 =	smul.u32 $0x500, s3  }
0x8: {  	_ =	strace $0x8000004D;
	s31 =	sshrl.u32 s4, $0x1;
	s3 =	sadd.s32 $0x16400, s8  }
0x9: {  	s11 =	ssub.s32 s4, s31;
	s5 =	sshrl.u32 s5, $0x3;
	s6 =	sadd.s32 s6, s8  }
0xa: {  	s11 =	smax.u32 s11, $0x1;
	s10 =	sadd.s32 s5, s8;
	s4 =	sadd.s32 $0xC400, s6  }
0xb: {  	s5 =	sadd.s32 $0x2400, s6;
	s8 =	sadd.s32 $0x16DC4, s8;
	s6 =	sadd.s32 $0x17800, s10  }
0xc: {  	v0 =	vimm.f32 $0.0e+00;
	s7 =	sadd.s32 $0x21800, s10;
	s9 =	sadd.s32 $0x2B800, s10;
	s10 =	sadd.s32 $0x35800, s10  }
.LBB2_1:
0xd: {  	[tilespmem:s2], [sflag:$0x1] =	stream.linear.gather [hbm4b:s4+s2], $0x2800, $0x38;
	[tilespmem:$0xEE20] =	vst v63  }
0xe: {  	_ =	swait.ge [sflag:s12], $0x2800  }
0xf: {  	[sflag:s12] =	ssyncset.done $0x0  }
0x10: {  	[sflag:s12] =	ssyncadd.s32 $0xFFFFD800  }
0x11: {  	[tilespmem:s13], [sflag:$0x1] =	stream.linear.gather [hbm4b:s5+s2], $0x2800, $0x38;
	[tilespmem:$0xEE20] =	vst v63  }
0x12: {  	_ =	swait.ge [sflag:s12], $0x2800  }
0x13: {  	[sflag:s12] =	ssyncset.done $0x0  }
0x14: {  	[sflag:s12] =	ssyncadd.s32 $0xFFFFD800  }
0x15: {  	[tilespmem:s14], [sflag:$0x1] =	stream.linear.gather [hbm4b:s3+s2], $0x4E20, $0x38;
	[tilespmem:$0xEE20] =	vst v63  }
0x16: {  	_ =	swait.ge [sflag:s12], $0x4E20  }
0x17: {  	[sflag:s12] =	ssyncset.done $0x0  }
0x18: {  	s18 =	simm.s32 $0x0;
	[sflag:s12] =	ssyncadd.s32 $0xFFFFB1E0  }
.LBB2_2:
0x19: {  	p0 =	sne.s32 s18, $0x9FC0  }
.Ltmp0:
0x1a: {  	_ = 	snop;
	(pc) =	sbr.rel @p0 .LBB2_2-.Ltmp0, $4  }
0x1b: {  	_ = 	snop  }
0x1c: {  	s19 =	sshra.s32 s18, $0x2  }
0x1d: {  	[tilespmem:s19+$0x9E20] =	vst v0  }
0x1e: {  	s18 =	sadd.s32 $0x40, s18;
	[tilespmem:s19+$0xC620] =	vst v0  }
0x1f: {  	s18 =	simm.s32 $0x0  }
.LBB2_4:
0x20: {  	s19 =	sshra.s32 s18, $0x2  }
0x21: {  	v1 =	vld [tilespmem:s19+$0x0];
	_ =	sdelay $0x4  }
0x22: {  	v2 =	vld [tilespmem:s19+$0x2800];
	_ =	sdelay $0x2  }
0x23: {  	v3 =	vld.idx.msk [tilespmem:v1+s14+$0x0], $0xffff  }
0x24: {  	v1 =	vadd.s32 $0x2710, v1;
	_ =	sdelay $0x3  }
0x25: {  	[tilespmem:v2+s15+$0x0] =	vst.idx.add.f32.msk $0xffff, v3  }
0x26: {  	v2 =	vadd.s32 $0x2800, v2;
	v1 =	vld.idx.msk [tilespmem:v1+s14+$0x0], $0xffff;
	_ =	sdelay $0x4  }
0x27: {  	[tilespmem:v2+s15+$0x0] =	vst.idx.add.f32.msk $0xffff, v1  }
0x28: {  	v1 =	vld [tilespmem:s19+$0x10];
	_ =	sdelay $0x4  }
0x29: {  	v2 =	vld [tilespmem:s19+$0x2810];
	_ =	sdelay $0x2  }
0x2a: {  	v3 =	vld.idx.msk [tilespmem:v1+s14+$0x0], $0xffff  }
0x2b: {  	v1 =	vadd.s32 $0x2710, v1;
	_ =	sdelay $0x3  }
0x2c: {  	[tilespmem:v2+s15+$0x0] =	vst.idx.add.f32.msk $0xffff, v3  }
0x2d: {  	v2 =	vadd.s32 $0x2800, v2;
	v1 =	vld.idx.msk [tilespmem:v1+s14+$0x0], $0xffff;
	_ =	sdelay $0x4  }
0x2e: {  	[tilespmem:v2+s15+$0x0] =	vst.idx.add.f32.msk $0xffff, v1  }
0x2f: {  	v1 =	vld [tilespmem:s19+$0x20];
	_ =	sdelay $0x4  }
0x30: {  	v2 =	vld [tilespmem:s19+$0x2820];
	_ =	sdelay $0x2  }
0x31: {  	v3 =	vld.idx.msk [tilespmem:v1+s14+$0x0], $0xffff  }
0x32: {  	v1 =	vadd.s32 $0x2710, v1;
	_ =	sdelay $0x3  }
0x33: {  	[tilespmem:v2+s15+$0x0] =	vst.idx.add.f32.msk $0xffff, v3  }
0x34: {  	v2 =	vadd.s32 $0x2800, v2;
	v1 =	vld.idx.msk [tilespmem:v1+s14+$0x0], $0xffff;
	_ =	sdelay $0x4  }
0x35: {  	[tilespmem:v2+s15+$0x0] =	vst.idx.add.f32.msk $0xffff, v1  }
0x36: {  	v1 =	vld [tilespmem:s19+$0x30];
	_ =	sdelay $0x4  }
0x37: {  	v2 =	vld [tilespmem:s19+$0x2830];
	_ =	sdelay $0x2  }
0x38: {  	v3 =	vld.idx.msk [tilespmem:v1+s14+$0x0], $0xffff  }
0x39: {  	v1 =	vadd.s32 $0x2710, v1;
	_ =	sdelay $0x3  }
0x3a: {  	[tilespmem:v2+s15+$0x0] =	vst.idx.add.f32.msk $0xffff, v3  }
0x3b: {  	v2 =	vadd.s32 $0x2800, v2;
	v1 =	vld.idx.msk [tilespmem:v1+s14+$0x0], $0xffff;
	_ =	sdelay $0x4  }
0x3c: {  	[tilespmem:v2+s15+$0x0] =	vst.idx.add.f32.msk $0xffff, v1  }
0x3d: {  	v1 =	vld [tilespmem:s19+$0x40];
	_ =	sdelay $0x4  }
0x3e: {  	v2 =	vld [tilespmem:s19+$0x2840];
	_ =	sdelay $0x2  }
0x3f: {  	v3 =	vld.idx.msk [tilespmem:v1+s14+$0x0], $0xffff  }
0x40: {  	v1 =	vadd.s32 $0x2710, v1;
	_ =	sdelay $0x3  }
0x41: {  	[tilespmem:v2+s15+$0x0] =	vst.idx.add.f32.msk $0xffff, v3  }
0x42: {  	v2 =	vadd.s32 $0x2800, v2;
	v1 =	vld.idx.msk [tilespmem:v1+s14+$0x0], $0xffff;
	_ =	sdelay $0x4  }
0x43: {  	[tilespmem:v2+s15+$0x0] =	vst.idx.add.f32.msk $0xffff, v1  }
0x44: {  	v1 =	vld [tilespmem:s19+$0x50];
	_ =	sdelay $0x4  }
0x45: {  	v2 =	vld [tilespmem:s19+$0x2850];
	_ =	sdelay $0x2  }
0x46: {  	v3 =	vld.idx.msk [tilespmem:v1+s14+$0x0], $0xffff  }
0x47: {  	v1 =	vadd.s32 $0x2710, v1;
	_ =	sdelay $0x3  }
0x48: {  	[tilespmem:v2+s15+$0x0] =	vst.idx.add.f32.msk $0xffff, v3  }
0x49: {  	v2 =	vadd.s32 $0x2800, v2;
	v1 =	vld.idx.msk [tilespmem:v1+s14+$0x0], $0xffff;
	_ =	sdelay $0x4  }
0x4a: {  	[tilespmem:v2+s15+$0x0] =	vst.idx.add.f32.msk $0xffff, v1  }
0x4b: {  	v1 =	vld [tilespmem:s19+$0x60];
	_ =	sdelay $0x4  }
0x4c: {  	v2 =	vld [tilespmem:s19+$0x2860];
	_ =	sdelay $0x2  }
0x4d: {  	v3 =	vld.idx.msk [tilespmem:v1+s14+$0x0], $0xffff  }
0x4e: {  	v1 =	vadd.s32 $0x2710, v1;
	_ =	sdelay $0x3  }
0x4f: {  	[tilespmem:v2+s15+$0x0] =	vst.idx.add.f32.msk $0xffff, v3  }
0x50: {  	v2 =	vadd.s32 $0x2800, v2;
	v1 =	vld.idx.msk [tilespmem:v1+s14+$0x0], $0xffff;
	_ =	sdelay $0x4  }
0x51: {  	[tilespmem:v2+s15+$0x0] =	vst.idx.add.f32.msk $0xffff, v1  }
0x52: {  	v1 =	vld [tilespmem:s19+$0x70];
	_ =	sdelay $0x4  }
0x53: {  	v2 =	vld [tilespmem:s19+$0x2870];
	_ =	sdelay $0x2  }
0x54: {  	v3 =	vld.idx.msk [tilespmem:v1+s14+$0x0], $0xffff  }
0x55: {  	v1 =	vadd.s32 $0x2710, v1;
	_ =	sdelay $0x3  }
0x56: {  	[tilespmem:v2+s15+$0x0] =	vst.idx.add.f32.msk $0xffff, v3  }
0x57: {  	p0 =	sne.s32 s18, $0x9E00;
	v2 =	vadd.s32 $0x2800, v2;
	v1 =	vld.idx.msk [tilespmem:v1+s14+$0x0], $0xffff  }
.Ltmp1:
0x58: {  	_ = 	snop;
	(pc) =	sbr.rel @p0 .LBB2_4-.Ltmp1, $2  }
0x59: {  	_ =	sdelay $0x2  }
0x5a: {  	s18 =	sadd.s32 $0x200, s18;
	[tilespmem:v2+s15+$0x0] =	vst.idx.add.f32.msk $0xffff, v1  }
0x5b: {  	s18 =	simm.s32 $0x0  }
0x5c: {  	[hbm4b:s6+s18] =	stream.linear.scatter [tilespmem:s15], [sflag:$0x1], $0x2800, $0x38;
	[tilespmem:$0xEE20] =	vst v63  }
0x5d: {  	_ =	swait.ge [sflag:s12], $0x2800  }
0x5e: {  	[sflag:s12] =	ssyncset.done $0x0  }
0x5f: {  	[sflag:s12] =	ssyncadd.s32 $0xFFFFD800  }
0x60: {  	[hbm4b:s7+s18] =	stream.linear.scatter [tilespmem:s16], [sflag:$0x1], $0x2800, $0x38;
	[tilespmem:$0xEE20] =	vst v63  }
0x61: {  	_ =	swait.ge [sflag:s12], $0x2800  }
0x62: {  	[sflag:s12] =	ssyncset.done $0x0  }
0x63: {  	[sflag:s12] =	ssyncadd.s32 $0xFFFFD800  }
0x64: {  	[tilespmem:s14], [sflag:$0x1] =	stream.linear.gather [hbm4b:s8+s18], $0x4E20, $0x38;
	[tilespmem:$0xEE20] =	vst v63  }
0x65: {  	_ =	swait.ge [sflag:s12], $0x4E20  }
0x66: {  	[sflag:s12] =	ssyncset.done $0x0  }
0x67: {  	s19 =	simm.s32 $0x40;
	s20 =	simm.s32 $0x0;
	[sflag:s12] =	ssyncadd.s32 $0xFFFFB1E0  }
.LBB2_6:
0x68: {  	p0 =	sne.s32 s19, $0x9FC0;
	[tilespmem:s20+$0x9E20] =	vst v0;
	s21 =	smov.u32 s19;
	s19 =	sadd.s32 $0x40, s19  }
.Ltmp2:
0x69: {  	[tilespmem:s20+$0xC620] =	vst v0;
	(pc) =	sbr.rel @p0 .LBB2_6-.Ltmp2, $2  }
0x6a: {  	_ =	sdelay $0x2  }
0x6b: {  	s20 =	sshra.s32 s21, $0x2  }
0x6c: {  	[tilespmem:s20+$0x9E20] =	vst v0  }
0x6d: {  	[tilespmem:s20+$0xC620] =	vst v0  }
.LBB2_8:
0x6e: {  	s19 =	sshra.s32 s18, $0x2  }
0x6f: {  	v1 =	vld [tilespmem:s19+$0x0];
	_ =	sdelay $0x4  }
0x70: {  	v2 =	vld [tilespmem:s19+$0x2800];
	_ =	sdelay $0x2  }
0x71: {  	v3 =	vld.idx.msk [tilespmem:v1+s14+$0x0], $0xffff  }
0x72: {  	v1 =	vadd.s32 $0x2710, v1;
	_ =	sdelay $0x3  }
0x73: {  	[tilespmem:v2+s15+$0x0] =	vst.idx.add.f32.msk $0xffff, v3  }
0x74: {  	v2 =	vadd.s32 $0x2800, v2;
	v1 =	vld.idx.msk [tilespmem:v1+s14+$0x0], $0xffff;
	_ =	sdelay $0x4  }
0x75: {  	[tilespmem:v2+s15+$0x0] =	vst.idx.add.f32.msk $0xffff, v1  }
0x76: {  	v1 =	vld [tilespmem:s19+$0x10];
	_ =	sdelay $0x4  }
0x77: {  	v2 =	vld [tilespmem:s19+$0x2810];
	_ =	sdelay $0x2  }
0x78: {  	v3 =	vld.idx.msk [tilespmem:v1+s14+$0x0], $0xffff  }
0x79: {  	v1 =	vadd.s32 $0x2710, v1;
	_ =	sdelay $0x3  }
0x7a: {  	[tilespmem:v2+s15+$0x0] =	vst.idx.add.f32.msk $0xffff, v3  }
0x7b: {  	v2 =	vadd.s32 $0x2800, v2;
	v1 =	vld.idx.msk [tilespmem:v1+s14+$0x0], $0xffff;
	_ =	sdelay $0x4  }
0x7c: {  	[tilespmem:v2+s15+$0x0] =	vst.idx.add.f32.msk $0xffff, v1  }
0x7d: {  	v1 =	vld [tilespmem:s19+$0x20];
	_ =	sdelay $0x4  }
0x7e: {  	v2 =	vld [tilespmem:s19+$0x2820];
	_ =	sdelay $0x2  }
0x7f: {  	v3 =	vld.idx.msk [tilespmem:v1+s14+$0x0], $0xffff  }
0x80: {  	v1 =	vadd.s32 $0x2710, v1;
	_ =	sdelay $0x3  }
0x81: {  	[tilespmem:v2+s15+$0x0] =	vst.idx.add.f32.msk $0xffff, v3  }
0x82: {  	v2 =	vadd.s32 $0x2800, v2;
	v1 =	vld.idx.msk [tilespmem:v1+s14+$0x0], $0xffff;
	_ =	sdelay $0x4  }
0x83: {  	[tilespmem:v2+s15+$0x0] =	vst.idx.add.f32.msk $0xffff, v1  }
0x84: {  	v1 =	vld [tilespmem:s19+$0x30];
	_ =	sdelay $0x4  }
0x85: {  	v2 =	vld [tilespmem:s19+$0x2830];
	_ =	sdelay $0x2  }
0x86: {  	v3 =	vld.idx.msk [tilespmem:v1+s14+$0x0], $0xffff  }
0x87: {  	v1 =	vadd.s32 $0x2710, v1;
	_ =	sdelay $0x3  }
0x88: {  	[tilespmem:v2+s15+$0x0] =	vst.idx.add.f32.msk $0xffff, v3  }
0x89: {  	v2 =	vadd.s32 $0x2800, v2;
	v1 =	vld.idx.msk [tilespmem:v1+s14+$0x0], $0xffff;
	_ =	sdelay $0x4  }
0x8a: {  	[tilespmem:v2+s15+$0x0] =	vst.idx.add.f32.msk $0xffff, v1  }
0x8b: {  	v1 =	vld [tilespmem:s19+$0x40];
	_ =	sdelay $0x4  }
0x8c: {  	v2 =	vld [tilespmem:s19+$0x2840];
	_ =	sdelay $0x2  }
0x8d: {  	v3 =	vld.idx.msk [tilespmem:v1+s14+$0x0], $0xffff  }
0x8e: {  	v1 =	vadd.s32 $0x2710, v1;
	_ =	sdelay $0x3  }
0x8f: {  	[tilespmem:v2+s15+$0x0] =	vst.idx.add.f32.msk $0xffff, v3  }
0x90: {  	v2 =	vadd.s32 $0x2800, v2;
	v1 =	vld.idx.msk [tilespmem:v1+s14+$0x0], $0xffff;
	_ =	sdelay $0x4  }
0x91: {  	[tilespmem:v2+s15+$0x0] =	vst.idx.add.f32.msk $0xffff, v1  }
0x92: {  	v1 =	vld [tilespmem:s19+$0x50];
	_ =	sdelay $0x4  }
0x93: {  	v2 =	vld [tilespmem:s19+$0x2850];
	_ =	sdelay $0x2  }
0x94: {  	v3 =	vld.idx.msk [tilespmem:v1+s14+$0x0], $0xffff  }
0x95: {  	v1 =	vadd.s32 $0x2710, v1;
	_ =	sdelay $0x3  }
0x96: {  	[tilespmem:v2+s15+$0x0] =	vst.idx.add.f32.msk $0xffff, v3  }
0x97: {  	v2 =	vadd.s32 $0x2800, v2;
	v1 =	vld.idx.msk [tilespmem:v1+s14+$0x0], $0xffff;
	_ =	sdelay $0x4  }
0x98: {  	[tilespmem:v2+s15+$0x0] =	vst.idx.add.f32.msk $0xffff, v1  }
0x99: {  	v1 =	vld [tilespmem:s19+$0x60];
	_ =	sdelay $0x4  }
0x9a: {  	v2 =	vld [tilespmem:s19+$0x2860];
	_ =	sdelay $0x2  }
0x9b: {  	v3 =	vld.idx.msk [tilespmem:v1+s14+$0x0], $0xffff  }
0x9c: {  	v1 =	vadd.s32 $0x2710, v1;
	_ =	sdelay $0x3  }
0x9d: {  	[tilespmem:v2+s15+$0x0] =	vst.idx.add.f32.msk $0xffff, v3  }
0x9e: {  	v2 =	vadd.s32 $0x2800, v2;
	v1 =	vld.idx.msk [tilespmem:v1+s14+$0x0], $0xffff;
	_ =	sdelay $0x4  }
0x9f: {  	[tilespmem:v2+s15+$0x0] =	vst.idx.add.f32.msk $0xffff, v1  }
0xa0: {  	v1 =	vld [tilespmem:s19+$0x70];
	_ =	sdelay $0x4  }
0xa1: {  	v2 =	vld [tilespmem:s19+$0x2870];
	_ =	sdelay $0x2  }
0xa2: {  	v3 =	vld.idx.msk [tilespmem:v1+s14+$0x0], $0xffff  }
0xa3: {  	v1 =	vadd.s32 $0x2710, v1;
	_ =	sdelay $0x3  }
0xa4: {  	[tilespmem:v2+s15+$0x0] =	vst.idx.add.f32.msk $0xffff, v3  }
0xa5: {  	p0 =	sne.s32 s18, $0x9E00;
	v2 =	vadd.s32 $0x2800, v2;
	v1 =	vld.idx.msk [tilespmem:v1+s14+$0x0], $0xffff  }
.Ltmp3:
0xa6: {  	_ = 	snop;
	(pc) =	sbr.rel @p0 .LBB2_8-.Ltmp3, $2  }
0xa7: {  	_ =	sdelay $0x2  }
0xa8: {  	s18 =	sadd.s32 $0x200, s18;
	[tilespmem:v2+s15+$0x0] =	vst.idx.add.f32.msk $0xffff, v1  }
0xa9: {  	[hbm4b:s9+s2] =	stream.linear.scatter [tilespmem:s15], [sflag:$0x1], $0x2800, $0x38;
	[tilespmem:$0xEE20] =	vst v63  }
0xaa: {  	s17 =	sadd.s32 $0x1, s17;
	_ =	swait.ge [sflag:s12], $0x2800  }
0xab: {  	p0 =	sne.s32 s17, s11;
	[sflag:s12] =	ssyncset.done $0x0  }
.Ltmp4:
0xac: {  	[sflag:s12] =	ssyncadd.s32 $0xFFFFD800;
	(pc) =	sbr.rel @p0 .LBB2_1-.Ltmp4, $4  }
0xad: {  	[hbm4b:s10+s2] =	stream.linear.scatter [tilespmem:s16], [sflag:$0x1], $0x2800, $0x38;
	[tilespmem:$0xEE20] =	vst v63  }
0xae: {  	_ =	swait.ge [sflag:s12], $0x2800  }
0xaf: {  	[sflag:s12] =	ssyncset.done $0x0  }
0xb0: {  	[sflag:s12] =	ssyncadd.s32 $0xFFFFD800  }
0xb1: {  	_ =	sfence.sel $0x180000  }
0xb2: {  	[bflag:$0x0] =	sbarrier.arrive $0xFFFF  }
0xb3: {  	p0 =	sne.s32 s1, $0x0;
	_ =	strace $0x9000004D  }
0xb4: {  	s0 =	sadd.s32 @!p0 $0x100000, s0;
	[bflag:$0x2] =	sbarrier.arrive $0xFFFF  }
0xb5: {  	[sflag:s0] =	ssyncadd.tile.s32 @!p0 $0x1;
	_ =	shalt  }
.Lfunc_end2:
_tile_overlayer_lowered:
.L_overlay_start_2:
0xb6: {  	(tag) =	ssettag $0x2  }
0xb7: {  	s0 =	rddreg [dreg:$0x0];
	s2 =	stileid.u32  }
0xb8: {  	s1 =	rddreg [dreg:$0x1];
	p0 =	sne.s32 s2, $0x0  }
0xb9: {  	s3 =	rddreg [dreg:$0x2];
	[bflag:$0x3] =	sbarrier.arrive $0xFFFF;
	s2 =	simm.s32 @!p0 $0x1C01  }
0xba: {  	[timem:s3], [sflag:s2] =	dma.local @!p0 [hbm:s0], s1  }
0xbb: {  	s0 =	simm.s32 @!p0 $0x1  }
0xbc: {  	_ =	swait.ge @!p0 [sflag:s0], s1  }
0xbd: {  	s1 =	ssub.s32 @!p0 $0x0, s1;
	[sflag:s0] =	ssyncset.done @!p0 $0x0  }
0xbe: {  	[sflag:s0] =	ssyncadd.s32 @!p0 s1  }
0xbf: {  	[bflag:$0x3] =	sbarrier.arrive $0xFFFF  }
0xc0: {  	_ =	shalt  }

// kernel: kernel.8.cloned.1.call-start
scs
__scs_entry_jumppad:
0x0: {  	(pc) =	sbr.rel $0x88, $3  }
0x1: {  	(tag) =	ssettag $0x0;
	lr =	simm.s32 $0x1  }
0x2: {  	[smem:$0x3F9B] =	sst lr;
	_ =	strace $0xD0000000  }
0x3: {  	_ = 	snop  }
0x4: {  	_ = 	snop  }
0x5: {  	_ = 	snop  }
0x6: {  	_ = 	snop  }
0x7: {  	_ = 	snop  }
__scs_overlays_trampoline_lowered:
0x8: {  	[smem:$0x3FAA] =	sst s0  }
0x9: {  	[smem:$0x3FAB] =	sst s1  }
0xa: {  	[smem:$0x3FAC] =	sst s2  }
0xb: {  	[smem:$0x3FAD] =	sst s3  }
0xc: {  	[smem:$0x3FAE] =	sst s4  }
0xd: {  	[smem:$0x3FAF] =	sst s5  }
0xe: {  	[smem:$0x3FB0] =	sst s6  }
0xf: {  	[smem:$0x3FB1] =	sst s7  }
0x10: {  	[smem:$0x3FB2] =	sst s8  }
0x11: {  	[smem:$0x3FB3] =	sst s9;
	s0 =	simm.s32 @!p0 $0x0  }
0x12: {  	s1 =	sld [smem:$0x3F99];
	s0 =	simm.s32 @p0 $0x1  }
0x13: {  	[smem:$0x3FB4] =	sst s0;
	s0 =	simm.s32 @!p1 $0x0  }
0x14: {  	s2 =	sld [smem:$0x3F98];
	s0 =	simm.s32 @p1 $0x1  }
0x15: {  	[smem:$0x3FB5] =	sst s0;
	s0 =	simm.s32 @!p2 $0x0  }
0x16: {  	s3 =	sld [smem:$0x3FDB];
	s0 =	simm.s32 @p2 $0x1  }
0x17: {  	s4 =	simm.s32 $0x1BF5;
	[smem:$0x3FB7] =	sst s0  }
0x18: {  	s0 =	sld [smem:$0x3F9A];
	_ =	swait.ge [sflag:s4], $0x0  }
0x19: {  	s7 =	sld [smem:$0x3F9B]  }
0x1a: {  	s8 =	sadd.s32 $0xFFFFE003, lr  }
0x1b: {  	s9 =	sadd.s32 $0xFFFFFEF7, lr;
	s5 =	simm.s32 $0xFFFFFFFF;
	p2 =	slt.u32 s8, $0xFFFFF086  }
0x1c: {  	p1 =	slt.u32 s9, $0xF7A;
	s5 =	simm.s32 @!p2 $0x0  }
0x1d: {  	s5 =	simm.s32 @p1 $0x1;
	p0 =	seq.s32 s7, s2  }
0x1e: {  	s7 =	smul.u32 @!p0 $0xF7A, s2;
	p2 =	seq.s32 @!p0 s5, $0x0  }
0x1f: {  	s9 =	smul.u32 $0xF7A, s1;
	s8 =	simm.s32 @!p0 $0x1BF5;
	p2 =	por !p2, p0  }
0x20: {  	[sflag:s8] =	ssyncset.s32 @!p0 $0xFFFFF086;
	s6 =	sadd.s32 @!p0 s3, s7;
	s7 =	simm.s32 @!p0 $0x108  }
0x21: {  	s3 =	sadd.s32 s3, s9;
	s6 =	sadd.s32 @!p0 $0x88, s6;
	s7 =	simm.s32 @p2 $0x1082  }
0x22: {  	[simem:s7], [sflag:s8] =	dma.local @!p0 [hbm:s6], $0xF7A  }
0x23: {  	s9 =	sor.u32 $0xD0000000, s2;
	s6 =	simm.s32 $0x108;
	_ =	swait.ge @!p0 [sflag:s8], $0x0  }
0x24: {  	s3 =	sadd.s32 $0x88, s3;
	s6 =	simm.s32 @!p1 $0x1082;
	[sflag:s4] =	ssyncset.s32 $0xFFFFF086  }
0x25: {  	[simem:s6], [sflag:s4] =	dma.local [hbm:s3], $0xF7A  }
0x26: {  	[smem:$0x3F9B] =	sst s1;
	(tag) =	ssettag s2;
	_ =	strace s9  }
0x27: {  	s1 =	sld [smem:$0x3FAB]  }
0x28: {  	s2 =	sld [smem:$0x3FAC]  }
0x29: {  	s4 =	sld [smem:$0x3FAE]  }
0x2a: {  	p0 =	seq.s32 s5, $0x0;
	s5 =	sld [smem:$0x3FAF]  }
0x2b: {  	s6 =	sld [smem:$0x3FB0]  }
0x2c: {  	s7 =	sld [smem:$0x3FB1]  }
0x2d: {  	s3 =	simm.s32 $0x108;
	s8 =	sld [smem:$0x3FB2]  }
0x2e: {  	s3 =	simm.s32 @!p0 $0x1082;
	s9 =	sld [smem:$0x3FB3]  }
0x2f: {  	lr =	sadd.s32 s0, s3;
	s0 =	sld [smem:$0x3FAA]  }
0x30: {  	s3 =	sld [smem:$0x3FAD]  }
0x31: {  	[smem:$0x3FB6] =	sst s10  }
0x32: {  	s10 =	sld [smem:$0x3FB4];
	_ =	sdelay $0x3  }
0x33: {  	p0 =	seq.s32 s10, $0x1;
	s10 =	sld [smem:$0x3FB6];
	_ =	sdelay $0x3  }
0x34: {  	[smem:$0x3FB6] =	sst s10  }
0x35: {  	s10 =	sld [smem:$0x3FB5];
	_ =	sdelay $0x3  }
0x36: {  	p1 =	seq.s32 s10, $0x1;
	s10 =	sld [smem:$0x3FB6];
	_ =	sdelay $0x3  }
0x37: {  	[smem:$0x3FB6] =	sst s10  }
0x38: {  	s10 =	sld [smem:$0x3FB7]  }
0x39: {  	_ = 	snop;
	(pc) =	sbr.ind lr, $3  }
0x3a: {  	_ = 	snop  }
0x3b: {  	_ = 	snop  }
0x3c: {  	p2 =	seq.s32 s10, $0x1;
	s10 =	sld [smem:$0x3FB6]  }
0x3d: {  	_ =	shalt  }
0x3e: {  	_ =	shalt  }
0x3f: {  	_ =	shalt  }
0x40: {  	_ =	shalt  }
0x41: {  	_ =	shalt  }
0x42: {  	_ =	shalt  }
0x43: {  	_ =	shalt  }
0x44: {  	_ =	shalt  }
0x45: {  	_ =	shalt  }
0x46: {  	_ =	shalt  }
0x47: {  	_ =	shalt  }
0x48: {  	_ =	shalt  }
0x49: {  	_ =	shalt  }
0x4a: {  	_ =	shalt  }
0x4b: {  	_ =	shalt  }
0x4c: {  	_ =	shalt  }
0x4d: {  	_ =	shalt  }
0x4e: {  	_ =	shalt  }
0x4f: {  	_ =	shalt  }
0x50: {  	_ =	shalt  }
0x51: {  	_ =	shalt  }
0x52: {  	_ =	shalt  }
0x53: {  	_ =	shalt  }
0x54: {  	_ =	shalt  }
0x55: {  	_ =	shalt  }
0x56: {  	_ =	shalt  }
0x57: {  	_ =	shalt  }
0x58: {  	_ =	shalt  }
0x59: {  	_ =	shalt  }
0x5a: {  	_ =	shalt  }
0x5b: {  	_ =	shalt  }
0x5c: {  	_ =	shalt  }
0x5d: {  	_ =	shalt  }
0x5e: {  	_ =	shalt  }
0x5f: {  	_ =	shalt  }
0x60: {  	_ =	shalt  }
0x61: {  	_ =	shalt  }
0x62: {  	_ =	shalt  }
0x63: {  	_ =	shalt  }
0x64: {  	_ =	shalt  }
0x65: {  	_ =	shalt  }
0x66: {  	_ =	shalt  }
0x67: {  	_ =	shalt  }
0x68: {  	_ =	shalt  }
0x69: {  	_ =	shalt  }
0x6a: {  	_ =	shalt  }
0x6b: {  	_ =	shalt  }
0x6c: {  	_ =	shalt  }
0x6d: {  	_ =	shalt  }
0x6e: {  	_ =	shalt  }
0x6f: {  	_ =	shalt  }
0x70: {  	_ =	shalt  }
0x71: {  	_ =	shalt  }
0x72: {  	_ =	shalt  }
0x73: {  	_ =	shalt  }
0x74: {  	_ =	shalt  }
0x75: {  	_ =	shalt  }
0x76: {  	_ =	shalt  }
0x77: {  	_ =	shalt  }
0x78: {  	_ =	shalt  }
0x79: {  	_ =	shalt  }
0x7a: {  	_ =	shalt  }
0x7b: {  	_ =	shalt  }
0x7c: {  	_ =	shalt  }
0x7d: {  	_ =	shalt  }
0x7e: {  	_ =	shalt  }
0x7f: {  	_ =	shalt  }
0x80: {  	_ =	shalt  }
0x81: {  	_ =	shalt  }
0x82: {  	_ =	shalt  }
0x83: {  	_ =	shalt  }
0x84: {  	_ =	shalt  }
0x85: {  	_ =	shalt  }
0x86: {  	_ =	shalt  }
0x87: {  	_ =	shalt  }
.Lfunc_end0:
.L_simem_size_0:
called_computation_lowered:
.L_overlay_start_0:
0x88: {  	s2 =	sld [smem:$0x3FD9]  }
0x89: {  	s3 =	sld [smem:$0x3FFE];
	_ =	sdelay $0x1  }
0x8a: {  	s1 =	srdreg.scid  }
0x8b: {  	s0 =	sand.u32 $0x1, s1  }
0x8c: {  	s16 =	sshll.u32 s0, $0xA;
	s2 =	sadd.s32 s3, s2  }
0x8d: {  	s2 =	sadd.s32 s2, s16  }
0x8e: {  	[smem:$0x3FC2] =	sst s2  }
0x8f: {  	_ = 	snop  }
0x90: {  	(tm) =	ssettm $0x1  }
0x91: {  	s17 =	sld [smem:$0x3FFB];
	_ =	sdelay $0x3  }
0x92: {  	_ =	strace s17  }
0x93: {  	s2 =	sld [smem:$0x3FFC];
	_ =	sdelay $0x3  }
0x94: {  	_ =	strace s2  }
0x95: {  	s2 =	sld [smem:$0x3FFD];
	_ =	sdelay $0x3  }
0x96: {  	_ =	strace s2  }
0x97: {  	_ =	strace $0x8FFFFFFF  }
0x98: {  	s18 =	sld [smem:$0x3FDB];
	_ =	sdelay $0x1  }
0x99: {  	s19 =	simm.s32 $_scs_section_size  }
0x9a: {  	s4 =	simm.s32 $_size__tile_overlayer_lowered;
	s5 =	simm.s32 $_tile_overlayer_lowered  }
0x9b: {  	s22 =	simm.s32 $0x1BFF;
	s21 =	sshll.u32 s5, $0x1;
	s2 =	sadd.s32 s19, s18  }
0x9c: {  	s6 =	simm.s32 $0x0;
	s20 =	sshll.u32 s4, $0x1;
	s4 =	sadd.s32 s21, s2  }
0x9d: {  	[timem:s6], [sflag:s22] =	dma.local [hbm:s4], s20  }
0x9e: {  	_ =	swait.ge [sflag:s22], s20  }
0x9f: {  	s3 =	ssub.s32 $0x0, s20;
	[sflag:s22] =	ssyncset.done $0x0  }
0xa0: {  	[sflag:s22] =	ssyncadd.s32 s3;
	_ =	sdelay $0x1  }
0xa1: {  	s23 =	simm.s32 $0x1B8B  }
0xa2: {  	_ =	swait.ge [sflag:s23], $0x1  }
0xa3: {  	[sflag:s23] =	ssyncset.done $0x0  }
0xa4: {  	s25 =	simm.s32 $0x1B8E;
	s24 =	sld [smem:$0x3FFE];
	[sflag:s23] =	ssyncadd.s32 $0xFFFFFFFF  }
0xa5: {  	s26 =	simm.s32 $execute0_lowered;
	[smem:$0x3FD2] =	sst s25  }
0xa6: {  	s4 =	sshll.u32 s26, $0x1;
	_ =	strace $0x80000046;
	[dreg:$0x1] =	wrdreg $0xFFFFFFFF  }
0xa7: {  	s28 =	simm.s32 $_size_execute0_lowered;
	s2 =	sadd.s32 s2, s4;
	[dreg:$0x0] =	wrdreg $0x0  }
0xa8: {  	s4 =	sshll.u32 s28, $0x1;
	[dreg:$0x2] =	wrdreg s2  }
0xa9: {  	[dreg:$0x3] =	wrdreg s4  }
0xaa: {  	[dreg:$0x4] =	wrdreg $0xC0  }
0xab: {  	_ =	task [dreg:s6], $0x5FFFF  }
0xac: {  	[dreg:$0x1] =	wrdreg $0xFFFFFFFF  }
0xad: {  	[dreg:$0x0] =	wrdreg $0x60  }
0xae: {  	[dreg:$0x2] =	wrdreg s24  }
0xaf: {  	[dreg:$0x3] =	wrdreg $0x9  }
0xb0: {  	_ =	task.clear_ibuf [dreg:s6], $0x4FFFF;
	_ =	strace $0x90000046  }
0xb1: {  	s29 =	simm.s32 $0x9;
	_ =	strace $0x80000048  }
0xb2: {  	_ =	swait.ge [sflag:s29], $0x1  }
0xb3: {  	[sflag:s29] =	ssyncadd.s32 $0xFFFFFFFF  }
0xb4: {  	_ =	strace $0x90000048  }
0xb5: {  	_ =	sfence  }
0xb6: {  	s30 =	sld [smem:$0x0];
	_ =	sdelay $0x2  }
0xb7: {  	s31 =	sshll.u32 s1, $0xD;
	s1 =	sshrl.u32 s1, $0x2  }
0xb8: {  	s3 =	sand.u32 $0x4000, s31;
	s1 =	sadd.s32 s1, s30  }
0xb9: {  	s0 =	sor.u32 s3, s0;
	s1 =	sshll.u32 s1, $0x11  }
0xba: {  	s0 =	sor.u32 s1, s0  }
0xbb: {  	s0 =	sadd.s32 $0x8F2B, s0  }
0xbc: {  	[sflag:s0] =	ssyncadd.remote.s32 $0x1  }
0xbd: {  	_ =	sfence.sel $0xFFFF  }
0xbe: {  	[dreg:$0x0] =	wrdreg $0xFFFFFFFF;
	(pc) =	sbr.abs _section_cstart, $3  }
0xbf: {  	[dreg:$0x1] =	wrdreg $0xFFFFFFFF  }
0xc0: {  	_ =	task.clear_ibuf [dreg:s6], $0x2FFFF;
	_ =	strace $0x9FFFFFFF  }
0xc1: {  	(tm) =	ssettm $0x7FFFFFFF  }
tec
execute0_lowered:
.L_overlay_start_1:
0x0: {  	(tag) =	ssettag $0x1  }
0x1: {  	s0 =	srdreg.scid  }
0x2: {  	s4 =	rddreg [dreg:$0x0];
	s3 =	sand.u32 $0x1, s0  }
0x3: {  	s1 =	stileid.u32;
	s7 =	simm.s32 $0x2800;
	s2 =	sshll.u32 s3, $0x4  }
0x4: {  	s0 =	rddreg [dreg:$0x1];
	s3 =	ssub.s32 $0x2, s3;
	s5 =	sor.u32 s1, s2  }
0x5: {  	s2 =	simm.s32 $0x0;
	s6 =	sshrl.u32 s3, $0x1;
	s5 =	smul.u32 $0x500, s5  }
0x6: {  	s8 =	simm.s32 $0x0;
	[smem:$0x7FF] =	sst s2;
	s31 =	ssub.s32 s3, s6  }
0x7: {  	s6 =	simm.s32 $0x1;
	_ =	strace $0x80000047;
	s4 =	sadd.s32 s5, s4  }
0x8: {  	v0 =	vimm.f32 $0.0e+00;
	v1 =	vimm.f32 $1.000000000e+00;
	s5 =	smax.u32 s31, $0x1;
	s3 =	sadd.s32 $0x2400, s4;
	s4 =	sadd.s32 $0x16400, s4  }
.LBB2_1:
0x9: {  	[tilespmem:s2], [sflag:$0x1] =	stream.linear.gather [hbm4b:s3+s2], $0x2800, $0x38;
	[tilespmem:$0x5000] =	vst v63  }
0xa: {  	_ =	swait.ge [sflag:s6], $0x2800  }
0xb: {  	[sflag:s6] =	ssyncset.done $0x0  }
0xc: {  	s9 =	simm.s32 $0x0;
	[sflag:s6] =	ssyncadd.s32 $0xFFFFD800  }
.LBB2_2:
0xd: {  	p0 =	sne.s32 s9, $0x9FC0  }
.Ltmp0:
0xe: {  	_ = 	snop;
	(pc) =	sbr.rel @p0 .LBB2_2-.Ltmp0, $3  }
0xf: {  	_ =	sdelay $0x1  }
0x10: {  	s10 =	sshra.s32 s9, $0x2  }
0x11: {  	s9 =	sadd.s32 $0x40, s9;
	[tilespmem:s10+$0x2800] =	vst v0  }
0x12: {  	s9 =	simm.s32 $0x0  }
.LBB2_4:
0x13: {  	s10 =	sshra.s32 s9, $0x2  }
0x14: {  	v2 =	vld [tilespmem:s10+$0x0];
	_ =	sdelay $0x7  }
0x15: {  	[tilespmem:v2+s7+$0x0] =	vst.idx.add.f32.msk $0xffff, v1  }
0x16: {  	v2 =	vld [tilespmem:s10+$0x10];
	_ =	sdelay $0x7  }
0x17: {  	[tilespmem:v2+s7+$0x0] =	vst.idx.add.f32.msk $0xffff, v1  }
0x18: {  	v2 =	vld [tilespmem:s10+$0x20];
	_ =	sdelay $0x7  }
0x19: {  	[tilespmem:v2+s7+$0x0] =	vst.idx.add.f32.msk $0xffff, v1  }
0x1a: {  	v2 =	vld [tilespmem:s10+$0x30];
	_ =	sdelay $0x7  }
0x1b: {  	[tilespmem:v2+s7+$0x0] =	vst.idx.add.f32.msk $0xffff, v1  }
0x1c: {  	v2 =	vld [tilespmem:s10+$0x40];
	_ =	sdelay $0x7  }
0x1d: {  	[tilespmem:v2+s7+$0x0] =	vst.idx.add.f32.msk $0xffff, v1  }
0x1e: {  	v2 =	vld [tilespmem:s10+$0x50];
	_ =	sdelay $0x7  }
0x1f: {  	[tilespmem:v2+s7+$0x0] =	vst.idx.add.f32.msk $0xffff, v1  }
0x20: {  	v2 =	vld [tilespmem:s10+$0x60];
	_ =	sdelay $0x7  }
0x21: {  	[tilespmem:v2+s7+$0x0] =	vst.idx.add.f32.msk $0xffff, v1  }
0x22: {  	v2 =	vld [tilespmem:s10+$0x70];
	_ =	sdelay $0x2  }
0x23: {  	p0 =	sne.s32 s9, $0x9E00  }
.Ltmp1:
0x24: {  	_ = 	snop;
	(pc) =	sbr.rel @p0 .LBB2_4-.Ltmp1, $2  }
0x25: {  	_ =	sdelay $0x2  }
0x26: {  	s9 =	sadd.s32 $0x200, s9;
	[tilespmem:v2+s7+$0x0] =	vst.idx.add.f32.msk $0xffff, v1  }
0x27: {  	s8 =	sadd.s32 $0x1, s8  }
0x28: {  	p0 =	sne.s32 s8, s5  }
.Ltmp2:
0x29: {  	_ = 	snop;
	(pc) =	sbr.rel @p0 .LBB2_1-.Ltmp2, $4  }
0x2a: {  	[hbm4b:s4+s2] =	stream.linear.scatter [tilespmem:s7], [sflag:$0x1], $0x2800, $0x38;
	[tilespmem:$0x5000] =	vst v63  }
0x2b: {  	_ =	swait.ge [sflag:s6], $0x2800  }
0x2c: {  	[sflag:s6] =	ssyncset.done $0x0  }
0x2d: {  	[sflag:s6] =	ssyncadd.s32 $0xFFFFD800  }
0x2e: {  	_ =	sfence.sel $0x180000  }
0x2f: {  	[bflag:$0x0] =	sbarrier.arrive $0xFFFF  }
0x30: {  	p0 =	sne.s32 s1, $0x0;
	_ =	strace $0x90000047  }
0x31: {  	s0 =	sadd.s32 @!p0 $0x100000, s0;
	[bflag:$0x2] =	sbarrier.arrive $0xFFFF  }
0x32: {  	[sflag:s0] =	ssyncadd.tile.s32 @!p0 $0x1;
	_ =	shalt  }
.Lfunc_end2:
_tile_overlayer_lowered:
.L_overlay_start_2:
0x33: {  	(tag) =	ssettag $0x2  }
0x34: {  	s0 =	rddreg [dreg:$0x0];
	s2 =	stileid.u32  }
0x35: {  	s1 =	rddreg [dreg:$0x1];
	p0 =	sne.s32 s2, $0x0  }
0x36: {  	s3 =	rddreg [dreg:$0x2];
	[bflag:$0x3] =	sbarrier.arrive $0xFFFF;
	s2 =	simm.s32 @!p0 $0x1C01  }
0x37: {  	[timem:s3], [sflag:s2] =	dma.local @!p0 [hbm:s0], s1  }
0x38: {  	s0 =	simm.s32 @!p0 $0x1  }
0x39: {  	_ =	swait.ge @!p0 [sflag:s0], s1  }
0x3a: {  	s1 =	ssub.s32 @!p0 $0x0, s1;
	[sflag:s0] =	ssyncset.done @!p0 $0x0  }
0x3b: {  	[sflag:s0] =	ssyncadd.s32 @!p0 s1  }
0x3c: {  	[bflag:$0x3] =	sbarrier.arrive $0xFFFF  }
0x3d: {  	_ =	shalt  }

</sc_bundles>
